<compile_context>
chip_gen: v7x
topology: tpu7x:2x2x1
jax: 0.10.2.dev20260603
libtpu: 0.0.44.dev20260713+nightly
codegen_flags: <defaults>
</compile_context>

<pallas_src>
import functools

import jax
import jax.numpy as jnp
from jax import lax
from jax.experimental import pallas as pl
from jax.experimental.pallas import tpu as pltpu
from jax.experimental.pallas import tpu_sc as plsc

DIM = 768
BATCH = 4096
SEQ = 50
B = BATCH * SEQ

NC, NS = 2, 16
NW = NC * NS
B_PER_W = B // NW
CHUNK = 16
NBUF = 8
LOOKAHEAD = 4
N_CHUNKS = B_PER_W // CHUNK
N_OUTER = N_CHUNKS // NBUF

_mesh = plsc.VectorSubcoreMesh(core_axis_name="c", subcore_axis_name="s")


@functools.partial(
    pl.kernel,
    out_type=jax.ShapeDtypeStruct((B, DIM), jnp.float32),
    mesh=_mesh,
    scratch_types=[
        pltpu.VMEM((B_PER_W,), jnp.int32),
        [pltpu.VMEM((CHUNK, DIM), jnp.float32) for _ in range(NBUF)],
        [pltpu.SemaphoreType.DMA for _ in range(NBUF)],
        [pltpu.SemaphoreType.DMA for _ in range(NBUF)],
    ],
)
def _embedding_gather(idx_hbm, table_hbm, out_hbm, idx_v, rows, semg, semo):
    wid = lax.axis_index("s") * NC + lax.axis_index("c")
    base = wid * B_PER_W
    pltpu.sync_copy(idx_hbm.at[pl.ds(base, B_PER_W)], idx_v)

    def gather(c, b):
        pltpu.async_copy(
            table_hbm.at[idx_v.at[pl.ds(c * CHUNK, CHUNK)]], rows[b], semg[b]
        )

    def gather_wait(b):
        pltpu.make_async_copy(
            table_hbm.at[idx_v.at[pl.ds(0, CHUNK)]], rows[b], semg[b]
        ).wait()

    def out_copy(c, b):
        pltpu.async_copy(rows[b], out_hbm.at[pl.ds(base + c * CHUNK, CHUNK)], semo[b])

    def out_drain(b):
        pltpu.make_async_copy(
            rows[b], out_hbm.at[pl.ds(base, CHUNK)], semo[b]
        ).wait()

    for c0 in range(LOOKAHEAD):
        gather(c0, c0)

    def outer(i, carry):
        for b in range(NBUF):
            c = i * NBUF + b
            f = c + LOOKAHEAD
            bf = (b + LOOKAHEAD) % NBUF
            issue = (i < N_OUTER - 1) if b >= NBUF - LOOKAHEAD else True
            drain_needed = i >= 1 if b < LOOKAHEAD else True
            if issue is True and drain_needed is True:
                out_drain(bf)
                gather(f, bf)
            elif issue is True:
                @pl.when(i >= 1)
                def _():
                    out_drain(bf)

                gather(f, bf)
            else:
                @pl.when(i < N_OUTER - 1)
                def _():
                    out_drain(bf)
                    gather(f, bf)

            gather_wait(b)
            out_copy(c, b)
        return carry

    lax.fori_loop(0, N_OUTER, outer, 0)

    for b in range(NBUF):
        out_drain(b)


def kernel(news_batch, table):
    flat_idx = news_batch.T.reshape(B)
    out = _embedding_gather(flat_idx, table)
    return out.reshape(SEQ, BATCH, DIM).transpose(1, 0, 2)

# --- scband reference (transcript-rebuilt; emitter-appended) ---
"""Pipeline reference for scband-bert-embedding-61220463837483 (READ-ONLY COPY).

The authoritative reference and input builder live on the scoring server;
editing this copy changes nothing except your own understanding.
"""

import jax, jax.numpy as jnp
import numpy as np

VOCAB = 30522
DIM = 768
BATCH = 4096
SEQ = 50


def setup_inputs(seed: int = 0) -> dict:
    key = jax.random.key(seed)
    k1, k2 = jax.random.split(key)
    # news_batch: [batch_size, signal_length] token ids (3/2-dim path -> else branch)
    news_batch = jax.random.randint(k1, (BATCH, SEQ), 0, VOCAB, dtype=jnp.int32)
    # learned BERT word-embedding table, sized per init_kwargs
    table = jax.random.normal(k2, (VOCAB, DIM), dtype=jnp.float32) * 0.02
    return {"news_batch": news_batch, "table": table}


def reference(news_batch, table):
    # Faithful translation of BERT_Embedding.forward for the non-4D path:
    #   word_embeds = self.bert_word_embedding(news_batch)
    # nn.Embedding lookup == row gather from the table.
    word_embeds = jnp.take(table, news_batch, axis=0)
    return word_embeds

if __name__ == "__main__":
    import jax
    _d = setup_inputs()
    print(jax.jit(kernel)(*tuple(_d.values())))

</pallas_src>

<mosaic_0001>
#map = affine_map<(d0, d1) -> (0)>
#map1 = affine_map<(d0, d1) -> (0, 0)>
module attributes {stable_mosaic.version = 14 : i64} {
  func.func @_embedding_gather(%arg0: i32, %arg1: i32, %arg2: memref<204800xi32, #tpu.memory_space<hbm>>, %arg3: memref<30522x768xf32, #tpu.memory_space<hbm>>, %arg4: memref<204800x768xf32, #tpu.memory_space<hbm>>, %arg5: memref<6400xi32, #tpu.memory_space<vmem>>, %arg6: memref<16x768xf32, #tpu.memory_space<vmem>>, %arg7: memref<16x768xf32, #tpu.memory_space<vmem>>, %arg8: memref<16x768xf32, #tpu.memory_space<vmem>>, %arg9: memref<16x768xf32, #tpu.memory_space<vmem>>, %arg10: memref<16x768xf32, #tpu.memory_space<vmem>>, %arg11: memref<16x768xf32, #tpu.memory_space<vmem>>, %arg12: memref<16x768xf32, #tpu.memory_space<vmem>>, %arg13: memref<16x768xf32, #tpu.memory_space<vmem>>, %arg14: memref<!tpu.dma_semaphore, #tpu.memory_space<semaphore_mem>>, %arg15: memref<!tpu.dma_semaphore, #tpu.memory_space<semaphore_mem>>, %arg16: memref<!tpu.dma_semaphore, #tpu.memory_space<semaphore_mem>>, %arg17: memref<!tpu.dma_semaphore, #tpu.memory_space<semaphore_mem>>, %arg18: memref<!tpu.dma_semaphore, #tpu.memory_space<semaphore_mem>>, %arg19: memref<!tpu.dma_semaphore, #tpu.memory_space<semaphore_mem>>, %arg20: memref<!tpu.dma_semaphore, #tpu.memory_space<semaphore_mem>>, %arg21: memref<!tpu.dma_semaphore, #tpu.memory_space<semaphore_mem>>, %arg22: memref<!tpu.dma_semaphore, #tpu.memory_space<semaphore_mem>>, %arg23: memref<!tpu.dma_semaphore, #tpu.memory_space<semaphore_mem>>, %arg24: memref<!tpu.dma_semaphore, #tpu.memory_space<semaphore_mem>>, %arg25: memref<!tpu.dma_semaphore, #tpu.memory_space<semaphore_mem>>, %arg26: memref<!tpu.dma_semaphore, #tpu.memory_space<semaphore_mem>>, %arg27: memref<!tpu.dma_semaphore, #tpu.memory_space<semaphore_mem>>, %arg28: memref<!tpu.dma_semaphore, #tpu.memory_space<semaphore_mem>>, %arg29: memref<!tpu.dma_semaphore, #tpu.memory_space<semaphore_mem>>) attributes {dimension_semantics = [#tpu.dimension_semantics<core_parallel>, #tpu.dimension_semantics<subcore_parallel>], iteration_bounds = array<i64: 2, 16>, scalar_prefetch = 0 : i64, scratch_operands = 25 : i64, tpu.core_type = #tpu.core_type<sc_vector_subcore>, window_params = [{transform_indices = #map}, {transform_indices = #map1}, {transform_indices = #map1}]} {
    %mul3A = arith.constant 2 : i32
    %mul3A_0 = arith.muli %arg1, %mul3A : i32
    %add3A = arith.addi %mul3A_0, %arg0 : i32
    %mul3A_1 = arith.constant 6400 : i32
    %mul3A_2 = arith.muli %add3A, %mul3A_1 : i32
    "tpu.region"() ({
      %run_scoped3A = tpu.sem_alloc : memref<!tpu.dma_semaphore, #tpu.memory_space<semaphore_mem>>
      %dma_start3A_58 = tpu.memref_slice %arg2[%mul3A_2] : memref<204800xi32, #tpu.memory_space<hbm>> -> memref<6400xi32, #tpu.memory_space<hbm>>
      %dma_start3A_59 = tpu.memref_slice %arg2[%mul3A_2] : memref<204800xi32, #tpu.memory_space<hbm>> -> memref<6400xi32, #tpu.memory_space<hbm>>
      tpu.enqueue_dma source(%dma_start3A_59 : memref<6400xi32, #tpu.memory_space<hbm>>) target(%arg5 : memref<6400xi32, #tpu.memory_space<vmem>>) target_semaphore(%run_scoped3A : memref<!tpu.dma_semaphore, #tpu.memory_space<semaphore_mem>>)
      %dma_wait3A_60 = tpu.memref_slice %arg2[%mul3A_2] : memref<204800xi32, #tpu.memory_space<hbm>> -> memref<6400xi32, #tpu.memory_space<hbm>>
      %dma_wait3A_61 = tpu.memref_slice %arg2[%mul3A_2] : memref<204800xi32, #tpu.memory_space<hbm>> -> memref<6400xi32, #tpu.memory_space<hbm>>
      tpu.wait_dma2 semaphore(%run_scoped3A : memref<!tpu.dma_semaphore, #tpu.memory_space<semaphore_mem>>) src(%dma_wait3A_61 : memref<6400xi32, #tpu.memory_space<hbm>>) dst(%arg5 : memref<6400xi32, #tpu.memory_space<vmem>>)
      tpu.yield
    }) : () -> ()
    %dma_start3A = arith.constant 0 : i32
    %dma_start3A_3 = tpu.memref_slice %arg5[%dma_start3A] : memref<6400xi32, #tpu.memory_space<vmem>> -> memref<16xi32, #tpu.memory_space<vmem>>
    %dma_start3A_4 = arith.constant 0 : i32
    %dma_start3A_5 = arith.constant 0 : i32
    %dma_start3A_6 = tpu.memref_slice %arg3[%dma_start3A_4, %dma_start3A_5] : memref<30522x768xf32, #tpu.memory_space<hbm>> -> memref<30522x768xf32, #tpu.memory_space<hbm>>
    tpu.enqueue_indirect_dma source(%dma_start3A_6 : memref<30522x768xf32, #tpu.memory_space<hbm>>) target(%arg6 : memref<16x768xf32, #tpu.memory_space<vmem>>) offsets(%dma_start3A_3 : memref<16xi32, #tpu.memory_space<vmem>>) semaphore(%arg14 : memref<!tpu.dma_semaphore, #tpu.memory_space<semaphore_mem>>)
    %dma_start3A_7 = arith.constant 16 : i32
    %dma_start3A_8 = tpu.memref_slice %arg5[%dma_start3A_7] : memref<6400xi32, #tpu.memory_space<vmem>> -> memref<16xi32, #tpu.memory_space<vmem>>
    %dma_start3A_9 = arith.constant 0 : i32
    %dma_start3A_10 = arith.constant 0 : i32
    %dma_start3A_11 = tpu.memref_slice %arg3[%dma_start3A_9, %dma_start3A_10] : memref<30522x768xf32, #tpu.memory_space<hbm>> -> memref<30522x768xf32, #tpu.memory_space<hbm>>
    tpu.enqueue_indirect_dma source(%dma_start3A_11 : memref<30522x768xf32, #tpu.memory_space<hbm>>) target(%arg7 : memref<16x768xf32, #tpu.memory_space<vmem>>) offsets(%dma_start3A_8 : memref<16xi32, #tpu.memory_space<vmem>>) semaphore(%arg15 : memref<!tpu.dma_semaphore, #tpu.memory_space<semaphore_mem>>)
    %dma_start3A_12 = arith.constant 32 : i32
    %dma_start3A_13 = tpu.memref_slice %arg5[%dma_start3A_12] : memref<6400xi32, #tpu.memory_space<vmem>> -> memref<16xi32, #tpu.memory_space<vmem>>
    %dma_start3A_14 = arith.constant 0 : i32
    %dma_start3A_15 = arith.constant 0 : i32
    %dma_start3A_16 = tpu.memref_slice %arg3[%dma_start3A_14, %dma_start3A_15] : memref<30522x768xf32, #tpu.memory_space<hbm>> -> memref<30522x768xf32, #tpu.memory_space<hbm>>
    tpu.enqueue_indirect_dma source(%dma_start3A_16 : memref<30522x768xf32, #tpu.memory_space<hbm>>) target(%arg8 : memref<16x768xf32, #tpu.memory_space<vmem>>) offsets(%dma_start3A_13 : memref<16xi32, #tpu.memory_space<vmem>>) semaphore(%arg16 : memref<!tpu.dma_semaphore, #tpu.memory_space<semaphore_mem>>)
    %dma_start3A_17 = arith.constant 48 : i32
    %dma_start3A_18 = tpu.memref_slice %arg5[%dma_start3A_17] : memref<6400xi32, #tpu.memory_space<vmem>> -> memref<16xi32, #tpu.memory_space<vmem>>
    %dma_start3A_19 = arith.constant 0 : i32
    %dma_start3A_20 = arith.constant 0 : i32
    %dma_start3A_21 = tpu.memref_slice %arg3[%dma_start3A_19, %dma_start3A_20] : memref<30522x768xf32, #tpu.memory_space<hbm>> -> memref<30522x768xf32, #tpu.memory_space<hbm>>
    tpu.enqueue_indirect_dma source(%dma_start3A_21 : memref<30522x768xf32, #tpu.memory_space<hbm>>) target(%arg9 : memref<16x768xf32, #tpu.memory_space<vmem>>) offsets(%dma_start3A_18 : memref<16xi32, #tpu.memory_space<vmem>>) semaphore(%arg17 : memref<!tpu.dma_semaphore, #tpu.memory_space<semaphore_mem>>)
    %scan3A = arith.constant 0 : i32
    %scan3A_22 = arith.constant 0 : i32
    %scan3A_23 = arith.constant 50 : i32
    %scan3A_24 = arith.addi %scan3A_22, %scan3A_23 : i32
    %scan3A_25 = arith.constant 1 : i32
    scf.for %scan3A_58 = %scan3A_22 to %scan3A_24 step %scan3A_25  : i32 {
      %mul3A_59 = arith.constant 8 : i32
      %mul3A_60 = arith.muli %scan3A_58, %mul3A_59 : i32
      %add3A_61 = arith.constant 0 : i32
      %add3A_62 = arith.addi %mul3A_60, %add3A_61 : i32
      %add3A_63 = arith.constant 4 : i32
      %add3A_64 = arith.addi %add3A_62, %add3A_63 : i32
      %ge3A = arith.constant 1 : i32
      %ge3A_65 = arith.cmpi sge, %scan3A_58, %ge3A : i32
      %ge3A_66 = arith.constant 1 : i32
      %ge3A_67 = arith.cmpi sge, %scan3A_58, %ge3A_66 : i32
      %convert_element_type3A = arith.extui %ge3A_67 : i1 to i32
      %cond3A = arith.constant 0 : i32
      %cond3A_68 = arith.cmpi ne, %convert_element_type3A, %cond3A : i32
      scf.if %cond3A_68 {
        %dma_wait3A_279 = arith.constant 0 : i32
        %dma_wait3A_280 = tpu.memref_slice %arg4[%mul3A_2, %dma_wait3A_279] : memref<204800x768xf32, #tpu.memory_space<hbm>> -> memref<16x768xf32, #tpu.memory_space<hbm>>
        %dma_wait3A_281 = arith.constant 0 : i32
        %dma_wait3A_282 = tpu.memref_slice %arg4[%mul3A_2, %dma_wait3A_281] : memref<204800x768xf32, #tpu.memory_space<hbm>> -> memref<16x768xf32, #tpu.memory_space<hbm>>
        tpu.wait_dma2 semaphore(%arg26 : memref<!tpu.dma_semaphore, #tpu.memory_space<semaphore_mem>>) src(%arg10 : memref<16x768xf32, #tpu.memory_space<vmem>>) dst(%dma_wait3A_282 : memref<16x768xf32, #tpu.memory_space<hbm>>)
      } else {
      }
      %mul3A_69 = arith.constant 16 : i32
      %mul3A_70 = arith.muli %add3A_64, %mul3A_69 : i32
      %dma_start3A_71 = tpu.memref_slice %arg5[%mul3A_70] : memref<6400xi32, #tpu.memory_space<vmem>> -> memref<16xi32, #tpu.memory_space<vmem>>
      %dma_start3A_72 = arith.constant 0 : i32
      %dma_start3A_73 = arith.constant 0 : i32
      %dma_start3A_74 = tpu.memref_slice %arg3[%dma_start3A_72, %dma_start3A_73] : memref<30522x768xf32, #tpu.memory_space<hbm>> -> memref<30522x768xf32, #tpu.memory_space<hbm>>
      tpu.enqueue_indirect_dma source(%dma_start3A_74 : memref<30522x768xf32, #tpu.memory_space<hbm>>) target(%arg10 : memref<16x768xf32, #tpu.memory_space<vmem>>) offsets(%dma_start3A_71 : memref<16xi32, #tpu.memory_space<vmem>>) semaphore(%arg18 : memref<!tpu.dma_semaphore, #tpu.memory_space<semaphore_mem>>)
      %dma_wait3A_75 = arith.constant 0 : i32
      %dma_wait3A_76 = tpu.memref_slice %arg5[%dma_wait3A_75] : memref<6400xi32, #tpu.memory_space<vmem>> -> memref<16xi32, #tpu.memory_space<vmem>>
      %dma_wait3A_77 = arith.constant 0 : i32
      %dma_wait3A_78 = arith.constant 0 : i32
      %dma_wait3A_79 = tpu.memref_slice %arg3[%dma_wait3A_77, %dma_wait3A_78] : memref<30522x768xf32, #tpu.memory_space<hbm>> -> memref<30522x768xf32, #tpu.memory_space<hbm>>
      tpu.wait_indirect_dma semaphore(%arg14 : memref<!tpu.dma_semaphore, #tpu.memory_space<semaphore_mem>>) src(%dma_wait3A_79 : memref<30522x768xf32, #tpu.memory_space<hbm>>) dst(%arg6 : memref<16x768xf32, #tpu.memory_space<vmem>>)
      %mul3A_80 = arith.constant 16 : i32
      %mul3A_81 = arith.muli %add3A_62, %mul3A_80 : i32
      %add3A_82 = arith.addi %mul3A_2, %mul3A_81 : i32
      %dma_start3A_83 = arith.constant 0 : i32
      %dma_start3A_84 = tpu.memref_slice %arg4[%add3A_82, %dma_start3A_83] : memref<204800x768xf32, #tpu.memory_space<hbm>> -> memref<16x768xf32, #tpu.memory_space<hbm>>
      %dma_start3A_85 = arith.constant 0 : i32
      %dma_start3A_86 = tpu.memref_slice %arg4[%add3A_82, %dma_start3A_85] : memref<204800x768xf32, #tpu.memory_space<hbm>> -> memref<16x768xf32, #tpu.memory_space<hbm>>
      tpu.enqueue_dma source(%arg6 : memref<16x768xf32, #tpu.memory_space<vmem>>) target(%dma_start3A_86 : memref<16x768xf32, #tpu.memory_space<hbm>>) target_semaphore(%arg22 : memref<!tpu.dma_semaphore, #tpu.memory_space<semaphore_mem>>)
      %mul3A_87 = arith.constant 8 : i32
      %mul3A_88 = arith.muli %scan3A_58, %mul3A_87 : i32
      %add3A_89 = arith.constant 1 : i32
      %add3A_90 = arith.addi %mul3A_88, %add3A_89 : i32
      %add3A_91 = arith.constant 4 : i32
      %add3A_92 = arith.addi %add3A_90, %add3A_91 : i32
      %ge3A_93 = arith.constant 1 : i32
      %ge3A_94 = arith.cmpi sge, %scan3A_58, %ge3A_93 : i32
      %ge3A_95 = arith.constant 1 : i32
      %ge3A_96 = arith.cmpi sge, %scan3A_58, %ge3A_95 : i32
      %convert_element_type3A_97 = arith.extui %ge3A_96 : i1 to i32
      %cond3A_98 = arith.constant 0 : i32
      %cond3A_99 = arith.cmpi ne, %convert_element_type3A_97, %cond3A_98 : i32
      scf.if %cond3A_99 {
        %dma_wait3A_279 = arith.constant 0 : i32
        %dma_wait3A_280 = tpu.memref_slice %arg4[%mul3A_2, %dma_wait3A_279] : memref<204800x768xf32, #tpu.memory_space<hbm>> -> memref<16x768xf32, #tpu.memory_space<hbm>>
        %dma_wait3A_281 = arith.constant 0 : i32
        %dma_wait3A_282 = tpu.memref_slice %arg4[%mul3A_2, %dma_wait3A_281] : memref<204800x768xf32, #tpu.memory_space<hbm>> -> memref<16x768xf32, #tpu.memory_space<hbm>>
        tpu.wait_dma2 semaphore(%arg27 : memref<!tpu.dma_semaphore, #tpu.memory_space<semaphore_mem>>) src(%arg11 : memref<16x768xf32, #tpu.memory_space<vmem>>) dst(%dma_wait3A_282 : memref<16x768xf32, #tpu.memory_space<hbm>>)
      } else {
      }
      %mul3A_100 = arith.constant 16 : i32
      %mul3A_101 = arith.muli %add3A_92, %mul3A_100 : i32
      %dma_start3A_102 = tpu.memref_slice %arg5[%mul3A_101] : memref<6400xi32, #tpu.memory_space<vmem>> -> memref<16xi32, #tpu.memory_space<vmem>>
      %dma_start3A_103 = arith.constant 0 : i32
      %dma_start3A_104 = arith.constant 0 : i32
      %dma_start3A_105 = tpu.memref_slice %arg3[%dma_start3A_103, %dma_start3A_104] : memref<30522x768xf32, #tpu.memory_space<hbm>> -> memref<30522x768xf32, #tpu.memory_space<hbm>>
      tpu.enqueue_indirect_dma source(%dma_start3A_105 : memref<30522x768xf32, #tpu.memory_space<hbm>>) target(%arg11 : memref<16x768xf32, #tpu.memory_space<vmem>>) offsets(%dma_start3A_102 : memref<16xi32, #tpu.memory_space<vmem>>) semaphore(%arg19 : memref<!tpu.dma_semaphore, #tpu.memory_space<semaphore_mem>>)
      %dma_wait3A_106 = arith.constant 0 : i32
      %dma_wait3A_107 = tpu.memref_slice %arg5[%dma_wait3A_106] : memref<6400xi32, #tpu.memory_space<vmem>> -> memref<16xi32, #tpu.memory_space<vmem>>
      %dma_wait3A_108 = arith.constant 0 : i32
      %dma_wait3A_109 = arith.constant 0 : i32
      %dma_wait3A_110 = tpu.memref_slice %arg3[%dma_wait3A_108, %dma_wait3A_109] : memref<30522x768xf32, #tpu.memory_space<hbm>> -> memref<30522x768xf32, #tpu.memory_space<hbm>>
      tpu.wait_indirect_dma semaphore(%arg15 : memref<!tpu.dma_semaphore, #tpu.memory_space<semaphore_mem>>) src(%dma_wait3A_110 : memref<30522x768xf32, #tpu.memory_space<hbm>>) dst(%arg7 : memref<16x768xf32, #tpu.memory_space<vmem>>)
      %mul3A_111 = arith.constant 16 : i32
      %mul3A_112 = arith.muli %add3A_90, %mul3A_111 : i32
      %add3A_113 = arith.addi %mul3A_2, %mul3A_112 : i32
      %dma_start3A_114 = arith.constant 0 : i32
      %dma_start3A_115 = tpu.memref_slice %arg4[%add3A_113, %dma_start3A_114] : memref<204800x768xf32, #tpu.memory_space<hbm>> -> memref<16x768xf32, #tpu.memory_space<hbm>>
      %dma_start3A_116 = arith.constant 0 : i32
      %dma_start3A_117 = tpu.memref_slice %arg4[%add3A_113, %dma_start3A_116] : memref<204800x768xf32, #tpu.memory_space<hbm>> -> memref<16x768xf32, #tpu.memory_space<hbm>>
      tpu.enqueue_dma source(%arg7 : memref<16x768xf32, #tpu.memory_space<vmem>>) target(%dma_start3A_117 : memref<16x768xf32, #tpu.memory_space<hbm>>) target_semaphore(%arg23 : memref<!tpu.dma_semaphore, #tpu.memory_space<semaphore_mem>>)
      %mul3A_118 = arith.constant 8 : i32
      %mul3A_119 = arith.muli %scan3A_58, %mul3A_118 : i32
      %add3A_120 = arith.constant 2 : i32
      %add3A_121 = arith.addi %mul3A_119, %add3A_120 : i32
      %add3A_122 = arith.constant 4 : i32
      %add3A_123 = arith.addi %add3A_121, %add3A_122 : i32
      %ge3A_124 = arith.constant 1 : i32
      %ge3A_125 = arith.cmpi sge, %scan3A_58, %ge3A_124 : i32
      %ge3A_126 = arith.constant 1 : i32
      %ge3A_127 = arith.cmpi sge, %scan3A_58, %ge3A_126 : i32
      %convert_element_type3A_128 = arith.extui %ge3A_127 : i1 to i32
      %cond3A_129 = arith.constant 0 : i32
      %cond3A_130 = arith.cmpi ne, %convert_element_type3A_128, %cond3A_129 : i32
      scf.if %cond3A_130 {
        %dma_wait3A_279 = arith.constant 0 : i32
        %dma_wait3A_280 = tpu.memref_slice %arg4[%mul3A_2, %dma_wait3A_279] : memref<204800x768xf32, #tpu.memory_space<hbm>> -> memref<16x768xf32, #tpu.memory_space<hbm>>
        %dma_wait3A_281 = arith.constant 0 : i32
        %dma_wait3A_282 = tpu.memref_slice %arg4[%mul3A_2, %dma_wait3A_281] : memref<204800x768xf32, #tpu.memory_space<hbm>> -> memref<16x768xf32, #tpu.memory_space<hbm>>
        tpu.wait_dma2 semaphore(%arg28 : memref<!tpu.dma_semaphore, #tpu.memory_space<semaphore_mem>>) src(%arg12 : memref<16x768xf32, #tpu.memory_space<vmem>>) dst(%dma_wait3A_282 : memref<16x768xf32, #tpu.memory_space<hbm>>)
      } else {
      }
      %mul3A_131 = arith.constant 16 : i32
      %mul3A_132 = arith.muli %add3A_123, %mul3A_131 : i32
      %dma_start3A_133 = tpu.memref_slice %arg5[%mul3A_132] : memref<6400xi32, #tpu.memory_space<vmem>> -> memref<16xi32, #tpu.memory_space<vmem>>
      %dma_start3A_134 = arith.constant 0 : i32
      %dma_start3A_135 = arith.constant 0 : i32
      %dma_start3A_136 = tpu.memref_slice %arg3[%dma_start3A_134, %dma_start3A_135] : memref<30522x768xf32, #tpu.memory_space<hbm>> -> memref<30522x768xf32, #tpu.memory_space<hbm>>
      tpu.enqueue_indirect_dma source(%dma_start3A_136 : memref<30522x768xf32, #tpu.memory_space<hbm>>) target(%arg12 : memref<16x768xf32, #tpu.memory_space<vmem>>) offsets(%dma_start3A_133 : memref<16xi32, #tpu.memory_space<vmem>>) semaphore(%arg20 : memref<!tpu.dma_semaphore, #tpu.memory_space<semaphore_mem>>)
      %dma_wait3A_137 = arith.constant 0 : i32
      %dma_wait3A_138 = tpu.memref_slice %arg5[%dma_wait3A_137] : memref<6400xi32, #tpu.memory_space<vmem>> -> memref<16xi32, #tpu.memory_space<vmem>>
      %dma_wait3A_139 = arith.constant 0 : i32
      %dma_wait3A_140 = arith.constant 0 : i32
      %dma_wait3A_141 = tpu.memref_slice %arg3[%dma_wait3A_139, %dma_wait3A_140] : memref<30522x768xf32, #tpu.memory_space<hbm>> -> memref<30522x768xf32, #tpu.memory_space<hbm>>
      tpu.wait_indirect_dma semaphore(%arg16 : memref<!tpu.dma_semaphore, #tpu.memory_space<semaphore_mem>>) src(%dma_wait3A_141 : memref<30522x768xf32, #tpu.memory_space<hbm>>) dst(%arg8 : memref<16x768xf32, #tpu.memory_space<vmem>>)
      %mul3A_142 = arith.constant 16 : i32
      %mul3A_143 = arith.muli %add3A_121, %mul3A_142 : i32
      %add3A_144 = arith.addi %mul3A_2, %mul3A_143 : i32
      %dma_start3A_145 = arith.constant 0 : i32
      %dma_start3A_146 = tpu.memref_slice %arg4[%add3A_144, %dma_start3A_145] : memref<204800x768xf32, #tpu.memory_space<hbm>> -> memref<16x768xf32, #tpu.memory_space<hbm>>
      %dma_start3A_147 = arith.constant 0 : i32
      %dma_start3A_148 = tpu.memref_slice %arg4[%add3A_144, %dma_start3A_147] : memref<204800x768xf32, #tpu.memory_space<hbm>> -> memref<16x768xf32, #tpu.memory_space<hbm>>
      tpu.enqueue_dma source(%arg8 : memref<16x768xf32, #tpu.memory_space<vmem>>) target(%dma_start3A_148 : memref<16x768xf32, #tpu.memory_space<hbm>>) target_semaphore(%arg24 : memref<!tpu.dma_semaphore, #tpu.memory_space<semaphore_mem>>)
      %mul3A_149 = arith.constant 8 : i32
      %mul3A_150 = arith.muli %scan3A_58, %mul3A_149 : i32
      %add3A_151 = arith.constant 3 : i32
      %add3A_152 = arith.addi %mul3A_150, %add3A_151 : i32
      %add3A_153 = arith.constant 4 : i32
      %add3A_154 = arith.addi %add3A_152, %add3A_153 : i32
      %ge3A_155 = arith.constant 1 : i32
      %ge3A_156 = arith.cmpi sge, %scan3A_58, %ge3A_155 : i32
      %ge3A_157 = arith.constant 1 : i32
      %ge3A_158 = arith.cmpi sge, %scan3A_58, %ge3A_157 : i32
      %convert_element_type3A_159 = arith.extui %ge3A_158 : i1 to i32
      %cond3A_160 = arith.constant 0 : i32
      %cond3A_161 = arith.cmpi ne, %convert_element_type3A_159, %cond3A_160 : i32
      scf.if %cond3A_161 {
        %dma_wait3A_279 = arith.constant 0 : i32
        %dma_wait3A_280 = tpu.memref_slice %arg4[%mul3A_2, %dma_wait3A_279] : memref<204800x768xf32, #tpu.memory_space<hbm>> -> memref<16x768xf32, #tpu.memory_space<hbm>>
        %dma_wait3A_281 = arith.constant 0 : i32
        %dma_wait3A_282 = tpu.memref_slice %arg4[%mul3A_2, %dma_wait3A_281] : memref<204800x768xf32, #tpu.memory_space<hbm>> -> memref<16x768xf32, #tpu.memory_space<hbm>>
        tpu.wait_dma2 semaphore(%arg29 : memref<!tpu.dma_semaphore, #tpu.memory_space<semaphore_mem>>) src(%arg13 : memref<16x768xf32, #tpu.memory_space<vmem>>) dst(%dma_wait3A_282 : memref<16x768xf32, #tpu.memory_space<hbm>>)
      } else {
      }
      %mul3A_162 = arith.constant 16 : i32
      %mul3A_163 = arith.muli %add3A_154, %mul3A_162 : i32
      %dma_start3A_164 = tpu.memref_slice %arg5[%mul3A_163] : memref<6400xi32, #tpu.memory_space<vmem>> -> memref<16xi32, #tpu.memory_space<vmem>>
      %dma_start3A_165 = arith.constant 0 : i32
      %dma_start3A_166 = arith.constant 0 : i32
      %dma_start3A_167 = tpu.memref_slice %arg3[%dma_start3A_165, %dma_start3A_166] : memref<30522x768xf32, #tpu.memory_space<hbm>> -> memref<30522x768xf32, #tpu.memory_space<hbm>>
      tpu.enqueue_indirect_dma source(%dma_start3A_167 : memref<30522x768xf32, #tpu.memory_space<hbm>>) target(%arg13 : memref<16x768xf32, #tpu.memory_space<vmem>>) offsets(%dma_start3A_164 : memref<16xi32, #tpu.memory_space<vmem>>) semaphore(%arg21 : memref<!tpu.dma_semaphore, #tpu.memory_space<semaphore_mem>>)
      %dma_wait3A_168 = arith.constant 0 : i32
      %dma_wait3A_169 = tpu.memref_slice %arg5[%dma_wait3A_168] : memref<6400xi32, #tpu.memory_space<vmem>> -> memref<16xi32, #tpu.memory_space<vmem>>
      %dma_wait3A_170 = arith.constant 0 : i32
      %dma_wait3A_171 = arith.constant 0 : i32
      %dma_wait3A_172 = tpu.memref_slice %arg3[%dma_wait3A_170, %dma_wait3A_171] : memref<30522x768xf32, #tpu.memory_space<hbm>> -> memref<30522x768xf32, #tpu.memory_space<hbm>>
      tpu.wait_indirect_dma semaphore(%arg17 : memref<!tpu.dma_semaphore, #tpu.memory_space<semaphore_mem>>) src(%dma_wait3A_172 : memref<30522x768xf32, #tpu.memory_space<hbm>>) dst(%arg9 : memref<16x768xf32, #tpu.memory_space<vmem>>)
      %mul3A_173 = arith.constant 16 : i32
      %mul3A_174 = arith.muli %add3A_152, %mul3A_173 : i32
      %add3A_175 = arith.addi %mul3A_2, %mul3A_174 : i32
      %dma_start3A_176 = arith.constant 0 : i32
      %dma_start3A_177 = tpu.memref_slice %arg4[%add3A_175, %dma_start3A_176] : memref<204800x768xf32, #tpu.memory_space<hbm>> -> memref<16x768xf32, #tpu.memory_space<hbm>>
      %dma_start3A_178 = arith.constant 0 : i32
      %dma_start3A_179 = tpu.memref_slice %arg4[%add3A_175, %dma_start3A_178] : memref<204800x768xf32, #tpu.memory_space<hbm>> -> memref<16x768xf32, #tpu.memory_space<hbm>>
      tpu.enqueue_dma source(%arg9 : memref<16x768xf32, #tpu.memory_space<vmem>>) target(%dma_start3A_179 : memref<16x768xf32, #tpu.memory_space<hbm>>) target_semaphore(%arg25 : memref<!tpu.dma_semaphore, #tpu.memory_space<semaphore_mem>>)
      %mul3A_180 = arith.constant 8 : i32
      %mul3A_181 = arith.muli %scan3A_58, %mul3A_180 : i32
      %add3A_182 = arith.constant 4 : i32
      %add3A_183 = arith.addi %mul3A_181, %add3A_182 : i32
      %add3A_184 = arith.constant 4 : i32
      %add3A_185 = arith.addi %add3A_183, %add3A_184 : i32
      %lt3A = arith.constant 49 : i32
      %lt3A_186 = arith.cmpi slt, %scan3A_58, %lt3A : i32
      %lt3A_187 = arith.constant 49 : i32
      %lt3A_188 = arith.cmpi slt, %scan3A_58, %lt3A_187 : i32
      %convert_element_type3A_189 = arith.extui %lt3A_188 : i1 to i32
      %cond3A_190 = arith.constant 0 : i32
      %cond3A_191 = arith.cmpi ne, %convert_element_type3A_189, %cond3A_190 : i32
      scf.if %cond3A_191 {
        %dma_wait3A_279 = arith.constant 0 : i32
        %dma_wait3A_280 = tpu.memref_slice %arg4[%mul3A_2, %dma_wait3A_279] : memref<204800x768xf32, #tpu.memory_space<hbm>> -> memref<16x768xf32, #tpu.memory_space<hbm>>
        %dma_wait3A_281 = arith.constant 0 : i32
        %dma_wait3A_282 = tpu.memref_slice %arg4[%mul3A_2, %dma_wait3A_281] : memref<204800x768xf32, #tpu.memory_space<hbm>> -> memref<16x768xf32, #tpu.memory_space<hbm>>
        tpu.wait_dma2 semaphore(%arg22 : memref<!tpu.dma_semaphore, #tpu.memory_space<semaphore_mem>>) src(%arg6 : memref<16x768xf32, #tpu.memory_space<vmem>>) dst(%dma_wait3A_282 : memref<16x768xf32, #tpu.memory_space<hbm>>)
        %mul3A_283 = arith.constant 16 : i32
        %mul3A_284 = arith.muli %add3A_185, %mul3A_283 : i32
        %dma_start3A_285 = tpu.memref_slice %arg5[%mul3A_284] : memref<6400xi32, #tpu.memory_space<vmem>> -> memref<16xi32, #tpu.memory_space<vmem>>
        %dma_start3A_286 = arith.constant 0 : i32
        %dma_start3A_287 = arith.constant 0 : i32
        %dma_start3A_288 = tpu.memref_slice %arg3[%dma_start3A_286, %dma_start3A_287] : memref<30522x768xf32, #tpu.memory_space<hbm>> -> memref<30522x768xf32, #tpu.memory_space<hbm>>
        tpu.enqueue_indirect_dma source(%dma_start3A_288 : memref<30522x768xf32, #tpu.memory_space<hbm>>) target(%arg6 : memref<16x768xf32, #tpu.memory_space<vmem>>) offsets(%dma_start3A_285 : memref<16xi32, #tpu.memory_space<vmem>>) semaphore(%arg14 : memref<!tpu.dma_semaphore, #tpu.memory_space<semaphore_mem>>)
      } else {
      }
      %dma_wait3A_192 = arith.constant 0 : i32
      %dma_wait3A_193 = tpu.memref_slice %arg5[%dma_wait3A_192] : memref<6400xi32, #tpu.memory_space<vmem>> -> memref<16xi32, #tpu.memory_space<vmem>>
      %dma_wait3A_194 = arith.constant 0 : i32
      %dma_wait3A_195 = arith.constant 0 : i32
      %dma_wait3A_196 = tpu.memref_slice %arg3[%dma_wait3A_194, %dma_wait3A_195] : memref<30522x768xf32, #tpu.memory_space<hbm>> -> memref<30522x768xf32, #tpu.memory_space<hbm>>
      tpu.wait_indirect_dma semaphore(%arg18 : memref<!tpu.dma_semaphore, #tpu.memory_space<semaphore_mem>>) src(%dma_wait3A_196 : memref<30522x768xf32, #tpu.memory_space<hbm>>) dst(%arg10 : memref<16x768xf32, #tpu.memory_space<vmem>>)
      %mul3A_197 = arith.constant 16 : i32
      %mul3A_198 = arith.muli %add3A_183, %mul3A_197 : i32
      %add3A_199 = arith.addi %mul3A_2, %mul3A_198 : i32
      %dma_start3A_200 = arith.constant 0 : i32
      %dma_start3A_201 = tpu.memref_slice %arg4[%add3A_199, %dma_start3A_200] : memref<204800x768xf32, #tpu.memory_space<hbm>> -> memref<16x768xf32, #tpu.memory_space<hbm>>
      %dma_start3A_202 = arith.constant 0 : i32
      %dma_start3A_203 = tpu.memref_slice %arg4[%add3A_199, %dma_start3A_202] : memref<204800x768xf32, #tpu.memory_space<hbm>> -> memref<16x768xf32, #tpu.memory_space<hbm>>
      tpu.enqueue_dma source(%arg10 : memref<16x768xf32, #tpu.memory_space<vmem>>) target(%dma_start3A_203 : memref<16x768xf32, #tpu.memory_space<hbm>>) target_semaphore(%arg26 : memref<!tpu.dma_semaphore, #tpu.memory_space<semaphore_mem>>)
      %mul3A_204 = arith.constant 8 : i32
      %mul3A_205 = arith.muli %scan3A_58, %mul3A_204 : i32
      %add3A_206 = arith.constant 5 : i32
      %add3A_207 = arith.addi %mul3A_205, %add3A_206 : i32
      %add3A_208 = arith.constant 4 : i32
      %add3A_209 = arith.addi %add3A_207, %add3A_208 : i32
      %lt3A_210 = arith.constant 49 : i32
      %lt3A_211 = arith.cmpi slt, %scan3A_58, %lt3A_210 : i32
      %lt3A_212 = arith.constant 49 : i32
      %lt3A_213 = arith.cmpi slt, %scan3A_58, %lt3A_212 : i32
      %convert_element_type3A_214 = arith.extui %lt3A_213 : i1 to i32
      %cond3A_215 = arith.constant 0 : i32
      %cond3A_216 = arith.cmpi ne, %convert_element_type3A_214, %cond3A_215 : i32
      scf.if %cond3A_216 {
        %dma_wait3A_279 = arith.constant 0 : i32
        %dma_wait3A_280 = tpu.memref_slice %arg4[%mul3A_2, %dma_wait3A_279] : memref<204800x768xf32, #tpu.memory_space<hbm>> -> memref<16x768xf32, #tpu.memory_space<hbm>>
        %dma_wait3A_281 = arith.constant 0 : i32
        %dma_wait3A_282 = tpu.memref_slice %arg4[%mul3A_2, %dma_wait3A_281] : memref<204800x768xf32, #tpu.memory_space<hbm>> -> memref<16x768xf32, #tpu.memory_space<hbm>>
        tpu.wait_dma2 semaphore(%arg23 : memref<!tpu.dma_semaphore, #tpu.memory_space<semaphore_mem>>) src(%arg7 : memref<16x768xf32, #tpu.memory_space<vmem>>) dst(%dma_wait3A_282 : memref<16x768xf32, #tpu.memory_space<hbm>>)
        %mul3A_283 = arith.constant 16 : i32
        %mul3A_284 = arith.muli %add3A_209, %mul3A_283 : i32
        %dma_start3A_285 = tpu.memref_slice %arg5[%mul3A_284] : memref<6400xi32, #tpu.memory_space<vmem>> -> memref<16xi32, #tpu.memory_space<vmem>>
        %dma_start3A_286 = arith.constant 0 : i32
        %dma_start3A_287 = arith.constant 0 : i32
        %dma_start3A_288 = tpu.memref_slice %arg3[%dma_start3A_286, %dma_start3A_287] : memref<30522x768xf32, #tpu.memory_space<hbm>> -> memref<30522x768xf32, #tpu.memory_space<hbm>>
        tpu.enqueue_indirect_dma source(%dma_start3A_288 : memref<30522x768xf32, #tpu.memory_space<hbm>>) target(%arg7 : memref<16x768xf32, #tpu.memory_space<vmem>>) offsets(%dma_start3A_285 : memref<16xi32, #tpu.memory_space<vmem>>) semaphore(%arg15 : memref<!tpu.dma_semaphore, #tpu.memory_space<semaphore_mem>>)
      } else {
      }
      %dma_wait3A_217 = arith.constant 0 : i32
      %dma_wait3A_218 = tpu.memref_slice %arg5[%dma_wait3A_217] : memref<6400xi32, #tpu.memory_space<vmem>> -> memref<16xi32, #tpu.memory_space<vmem>>
      %dma_wait3A_219 = arith.constant 0 : i32
      %dma_wait3A_220 = arith.constant 0 : i32
      %dma_wait3A_221 = tpu.memref_slice %arg3[%dma_wait3A_219, %dma_wait3A_220] : memref<30522x768xf32, #tpu.memory_space<hbm>> -> memref<30522x768xf32, #tpu.memory_space<hbm>>
      tpu.wait_indirect_dma semaphore(%arg19 : memref<!tpu.dma_semaphore, #tpu.memory_space<semaphore_mem>>) src(%dma_wait3A_221 : memref<30522x768xf32, #tpu.memory_space<hbm>>) dst(%arg11 : memref<16x768xf32, #tpu.memory_space<vmem>>)
      %mul3A_222 = arith.constant 16 : i32
      %mul3A_223 = arith.muli %add3A_207, %mul3A_222 : i32
      %add3A_224 = arith.addi %mul3A_2, %mul3A_223 : i32
      %dma_start3A_225 = arith.constant 0 : i32
      %dma_start3A_226 = tpu.memref_slice %arg4[%add3A_224, %dma_start3A_225] : memref<204800x768xf32, #tpu.memory_space<hbm>> -> memref<16x768xf32, #tpu.memory_space<hbm>>
      %dma_start3A_227 = arith.constant 0 : i32
      %dma_start3A_228 = tpu.memref_slice %arg4[%add3A_224, %dma_start3A_227] : memref<204800x768xf32, #tpu.memory_space<hbm>> -> memref<16x768xf32, #tpu.memory_space<hbm>>
      tpu.enqueue_dma source(%arg11 : memref<16x768xf32, #tpu.memory_space<vmem>>) target(%dma_start3A_228 : memref<16x768xf32, #tpu.memory_space<hbm>>) target_semaphore(%arg27 : memref<!tpu.dma_semaphore, #tpu.memory_space<semaphore_mem>>)
      %mul3A_229 = arith.constant 8 : i32
      %mul3A_230 = arith.muli %scan3A_58, %mul3A_229 : i32
      %add3A_231 = arith.constant 6 : i32
      %add3A_232 = arith.addi %mul3A_230, %add3A_231 : i32
      %add3A_233 = arith.constant 4 : i32
      %add3A_234 = arith.addi %add3A_232, %add3A_233 : i32
      %lt3A_235 = arith.constant 49 : i32
      %lt3A_236 = arith.cmpi slt, %scan3A_58, %lt3A_235 : i32
      %lt3A_237 = arith.constant 49 : i32
      %lt3A_238 = arith.cmpi slt, %scan3A_58, %lt3A_237 : i32
      %convert_element_type3A_239 = arith.extui %lt3A_238 : i1 to i32
      %cond3A_240 = arith.constant 0 : i32
      %cond3A_241 = arith.cmpi ne, %convert_element_type3A_239, %cond3A_240 : i32
      scf.if %cond3A_241 {
        %dma_wait3A_279 = arith.constant 0 : i32
        %dma_wait3A_280 = tpu.memref_slice %arg4[%mul3A_2, %dma_wait3A_279] : memref<204800x768xf32, #tpu.memory_space<hbm>> -> memref<16x768xf32, #tpu.memory_space<hbm>>
        %dma_wait3A_281 = arith.constant 0 : i32
        %dma_wait3A_282 = tpu.memref_slice %arg4[%mul3A_2, %dma_wait3A_281] : memref<204800x768xf32, #tpu.memory_space<hbm>> -> memref<16x768xf32, #tpu.memory_space<hbm>>
        tpu.wait_dma2 semaphore(%arg24 : memref<!tpu.dma_semaphore, #tpu.memory_space<semaphore_mem>>) src(%arg8 : memref<16x768xf32, #tpu.memory_space<vmem>>) dst(%dma_wait3A_282 : memref<16x768xf32, #tpu.memory_space<hbm>>)
        %mul3A_283 = arith.constant 16 : i32
        %mul3A_284 = arith.muli %add3A_234, %mul3A_283 : i32
        %dma_start3A_285 = tpu.memref_slice %arg5[%mul3A_284] : memref<6400xi32, #tpu.memory_space<vmem>> -> memref<16xi32, #tpu.memory_space<vmem>>
        %dma_start3A_286 = arith.constant 0 : i32
        %dma_start3A_287 = arith.constant 0 : i32
        %dma_start3A_288 = tpu.memref_slice %arg3[%dma_start3A_286, %dma_start3A_287] : memref<30522x768xf32, #tpu.memory_space<hbm>> -> memref<30522x768xf32, #tpu.memory_space<hbm>>
        tpu.enqueue_indirect_dma source(%dma_start3A_288 : memref<30522x768xf32, #tpu.memory_space<hbm>>) target(%arg8 : memref<16x768xf32, #tpu.memory_space<vmem>>) offsets(%dma_start3A_285 : memref<16xi32, #tpu.memory_space<vmem>>) semaphore(%arg16 : memref<!tpu.dma_semaphore, #tpu.memory_space<semaphore_mem>>)
      } else {
      }
      %dma_wait3A_242 = arith.constant 0 : i32
      %dma_wait3A_243 = tpu.memref_slice %arg5[%dma_wait3A_242] : memref<6400xi32, #tpu.memory_space<vmem>> -> memref<16xi32, #tpu.memory_space<vmem>>
      %dma_wait3A_244 = arith.constant 0 : i32
      %dma_wait3A_245 = arith.constant 0 : i32
      %dma_wait3A_246 = tpu.memref_slice %arg3[%dma_wait3A_244, %dma_wait3A_245] : memref<30522x768xf32, #tpu.memory_space<hbm>> -> memref<30522x768xf32, #tpu.memory_space<hbm>>
      tpu.wait_indirect_dma semaphore(%arg20 : memref<!tpu.dma_semaphore, #tpu.memory_space<semaphore_mem>>) src(%dma_wait3A_246 : memref<30522x768xf32, #tpu.memory_space<hbm>>) dst(%arg12 : memref<16x768xf32, #tpu.memory_space<vmem>>)
      %mul3A_247 = arith.constant 16 : i32
      %mul3A_248 = arith.muli %add3A_232, %mul3A_247 : i32
      %add3A_249 = arith.addi %mul3A_2, %mul3A_248 : i32
      %dma_start3A_250 = arith.constant 0 : i32
      %dma_start3A_251 = tpu.memref_slice %arg4[%add3A_249, %dma_start3A_250] : memref<204800x768xf32, #tpu.memory_space<hbm>> -> memref<16x768xf32, #tpu.memory_space<hbm>>
      %dma_start3A_252 = arith.constant 0 : i32
      %dma_start3A_253 = tpu.memref_slice %arg4[%add3A_249, %dma_start3A_252] : memref<204800x768xf32, #tpu.memory_space<hbm>> -> memref<16x768xf32, #tpu.memory_space<hbm>>
      tpu.enqueue_dma source(%arg12 : memref<16x768xf32, #tpu.memory_space<vmem>>) target(%dma_start3A_253 : memref<16x768xf32, #tpu.memory_space<hbm>>) target_semaphore(%arg28 : memref<!tpu.dma_semaphore, #tpu.memory_space<semaphore_mem>>)
      %mul3A_254 = arith.constant 8 : i32
      %mul3A_255 = arith.muli %scan3A_58, %mul3A_254 : i32
      %add3A_256 = arith.constant 7 : i32
      %add3A_257 = arith.addi %mul3A_255, %add3A_256 : i32
      %add3A_258 = arith.constant 4 : i32
      %add3A_259 = arith.addi %add3A_257, %add3A_258 : i32
      %lt3A_260 = arith.constant 49 : i32
      %lt3A_261 = arith.cmpi slt, %scan3A_58, %lt3A_260 : i32
      %lt3A_262 = arith.constant 49 : i32
      %lt3A_263 = arith.cmpi slt, %scan3A_58, %lt3A_262 : i32
      %convert_element_type3A_264 = arith.extui %lt3A_263 : i1 to i32
      %cond3A_265 = arith.constant 0 : i32
      %cond3A_266 = arith.cmpi ne, %convert_element_type3A_264, %cond3A_265 : i32
      scf.if %cond3A_266 {
        %dma_wait3A_279 = arith.constant 0 : i32
        %dma_wait3A_280 = tpu.memref_slice %arg4[%mul3A_2, %dma_wait3A_279] : memref<204800x768xf32, #tpu.memory_space<hbm>> -> memref<16x768xf32, #tpu.memory_space<hbm>>
        %dma_wait3A_281 = arith.constant 0 : i32
        %dma_wait3A_282 = tpu.memref_slice %arg4[%mul3A_2, %dma_wait3A_281] : memref<204800x768xf32, #tpu.memory_space<hbm>> -> memref<16x768xf32, #tpu.memory_space<hbm>>
        tpu.wait_dma2 semaphore(%arg25 : memref<!tpu.dma_semaphore, #tpu.memory_space<semaphore_mem>>) src(%arg9 : memref<16x768xf32, #tpu.memory_space<vmem>>) dst(%dma_wait3A_282 : memref<16x768xf32, #tpu.memory_space<hbm>>)
        %mul3A_283 = arith.constant 16 : i32
        %mul3A_284 = arith.muli %add3A_259, %mul3A_283 : i32
        %dma_start3A_285 = tpu.memref_slice %arg5[%mul3A_284] : memref<6400xi32, #tpu.memory_space<vmem>> -> memref<16xi32, #tpu.memory_space<vmem>>
        %dma_start3A_286 = arith.constant 0 : i32
        %dma_start3A_287 = arith.constant 0 : i32
        %dma_start3A_288 = tpu.memref_slice %arg3[%dma_start3A_286, %dma_start3A_287] : memref<30522x768xf32, #tpu.memory_space<hbm>> -> memref<30522x768xf32, #tpu.memory_space<hbm>>
        tpu.enqueue_indirect_dma source(%dma_start3A_288 : memref<30522x768xf32, #tpu.memory_space<hbm>>) target(%arg9 : memref<16x768xf32, #tpu.memory_space<vmem>>) offsets(%dma_start3A_285 : memref<16xi32, #tpu.memory_space<vmem>>) semaphore(%arg17 : memref<!tpu.dma_semaphore, #tpu.memory_space<semaphore_mem>>)
      } else {
      }
      %dma_wait3A_267 = arith.constant 0 : i32
      %dma_wait3A_268 = tpu.memref_slice %arg5[%dma_wait3A_267] : memref<6400xi32, #tpu.memory_space<vmem>> -> memref<16xi32, #tpu.memory_space<vmem>>
      %dma_wait3A_269 = arith.constant 0 : i32
      %dma_wait3A_270 = arith.constant 0 : i32
      %dma_wait3A_271 = tpu.memref_slice %arg3[%dma_wait3A_269, %dma_wait3A_270] : memref<30522x768xf32, #tpu.memory_space<hbm>> -> memref<30522x768xf32, #tpu.memory_space<hbm>>
      tpu.wait_indirect_dma semaphore(%arg21 : memref<!tpu.dma_semaphore, #tpu.memory_space<semaphore_mem>>) src(%dma_wait3A_271 : memref<30522x768xf32, #tpu.memory_space<hbm>>) dst(%arg13 : memref<16x768xf32, #tpu.memory_space<vmem>>)
      %mul3A_272 = arith.constant 16 : i32
      %mul3A_273 = arith.muli %add3A_257, %mul3A_272 : i32
      %add3A_274 = arith.addi %mul3A_2, %mul3A_273 : i32
      %dma_start3A_275 = arith.constant 0 : i32
      %dma_start3A_276 = tpu.memref_slice %arg4[%add3A_274, %dma_start3A_275] : memref<204800x768xf32, #tpu.memory_space<hbm>> -> memref<16x768xf32, #tpu.memory_space<hbm>>
      %dma_start3A_277 = arith.constant 0 : i32
      %dma_start3A_278 = tpu.memref_slice %arg4[%add3A_274, %dma_start3A_277] : memref<204800x768xf32, #tpu.memory_space<hbm>> -> memref<16x768xf32, #tpu.memory_space<hbm>>
      tpu.enqueue_dma source(%arg13 : memref<16x768xf32, #tpu.memory_space<vmem>>) target(%dma_start3A_278 : memref<16x768xf32, #tpu.memory_space<hbm>>) target_semaphore(%arg29 : memref<!tpu.dma_semaphore, #tpu.memory_space<semaphore_mem>>)
    }
    %scan3A_26 = arith.constant 50 : i32
    %dma_wait3A = arith.constant 0 : i32
    %dma_wait3A_27 = tpu.memref_slice %arg4[%mul3A_2, %dma_wait3A] : memref<204800x768xf32, #tpu.memory_space<hbm>> -> memref<16x768xf32, #tpu.memory_space<hbm>>
    %dma_wait3A_28 = arith.constant 0 : i32
    %dma_wait3A_29 = tpu.memref_slice %arg4[%mul3A_2, %dma_wait3A_28] : memref<204800x768xf32, #tpu.memory_space<hbm>> -> memref<16x768xf32, #tpu.memory_space<hbm>>
    tpu.wait_dma2 semaphore(%arg22 : memref<!tpu.dma_semaphore, #tpu.memory_space<semaphore_mem>>) src(%arg6 : memref<16x768xf32, #tpu.memory_space<vmem>>) dst(%dma_wait3A_29 : memref<16x768xf32, #tpu.memory_space<hbm>>)
    %dma_wait3A_30 = arith.constant 0 : i32
    %dma_wait3A_31 = tpu.memref_slice %arg4[%mul3A_2, %dma_wait3A_30] : memref<204800x768xf32, #tpu.memory_space<hbm>> -> memref<16x768xf32, #tpu.memory_space<hbm>>
    %dma_wait3A_32 = arith.constant 0 : i32
    %dma_wait3A_33 = tpu.memref_slice %arg4[%mul3A_2, %dma_wait3A_32] : memref<204800x768xf32, #tpu.memory_space<hbm>> -> memref<16x768xf32, #tpu.memory_space<hbm>>
    tpu.wait_dma2 semaphore(%arg23 : memref<!tpu.dma_semaphore, #tpu.memory_space<semaphore_mem>>) src(%arg7 : memref<16x768xf32, #tpu.memory_space<vmem>>) dst(%dma_wait3A_33 : memref<16x768xf32, #tpu.memory_space<hbm>>)
    %dma_wait3A_34 = arith.constant 0 : i32
    %dma_wait3A_35 = tpu.memref_slice %arg4[%mul3A_2, %dma_wait3A_34] : memref<204800x768xf32, #tpu.memory_space<hbm>> -> memref<16x768xf32, #tpu.memory_space<hbm>>
    %dma_wait3A_36 = arith.constant 0 : i32
    %dma_wait3A_37 = tpu.memref_slice %arg4[%mul3A_2, %dma_wait3A_36] : memref<204800x768xf32, #tpu.memory_space<hbm>> -> memref<16x768xf32, #tpu.memory_space<hbm>>
    tpu.wait_dma2 semaphore(%arg24 : memref<!tpu.dma_semaphore, #tpu.memory_space<semaphore_mem>>) src(%arg8 : memref<16x768xf32, #tpu.memory_space<vmem>>) dst(%dma_wait3A_37 : memref<16x768xf32, #tpu.memory_space<hbm>>)
    %dma_wait3A_38 = arith.constant 0 : i32
    %dma_wait3A_39 = tpu.memref_slice %arg4[%mul3A_2, %dma_wait3A_38] : memref<204800x768xf32, #tpu.memory_space<hbm>> -> memref<16x768xf32, #tpu.memory_space<hbm>>
    %dma_wait3A_40 = arith.constant 0 : i32
    %dma_wait3A_41 = tpu.memref_slice %arg4[%mul3A_2, %dma_wait3A_40] : memref<204800x768xf32, #tpu.memory_space<hbm>> -> memref<16x768xf32, #tpu.memory_space<hbm>>
    tpu.wait_dma2 semaphore(%arg25 : memref<!tpu.dma_semaphore, #tpu.memory_space<semaphore_mem>>) src(%arg9 : memref<16x768xf32, #tpu.memory_space<vmem>>) dst(%dma_wait3A_41 : memref<16x768xf32, #tpu.memory_space<hbm>>)
    %dma_wait3A_42 = arith.constant 0 : i32
    %dma_wait3A_43 = tpu.memref_slice %arg4[%mul3A_2, %dma_wait3A_42] : memref<204800x768xf32, #tpu.memory_space<hbm>> -> memref<16x768xf32, #tpu.memory_space<hbm>>
    %dma_wait3A_44 = arith.constant 0 : i32
    %dma_wait3A_45 = tpu.memref_slice %arg4[%mul3A_2, %dma_wait3A_44] : memref<204800x768xf32, #tpu.memory_space<hbm>> -> memref<16x768xf32, #tpu.memory_space<hbm>>
    tpu.wait_dma2 semaphore(%arg26 : memref<!tpu.dma_semaphore, #tpu.memory_space<semaphore_mem>>) src(%arg10 : memref<16x768xf32, #tpu.memory_space<vmem>>) dst(%dma_wait3A_45 : memref<16x768xf32, #tpu.memory_space<hbm>>)
    %dma_wait3A_46 = arith.constant 0 : i32
    %dma_wait3A_47 = tpu.memref_slice %arg4[%mul3A_2, %dma_wait3A_46] : memref<204800x768xf32, #tpu.memory_space<hbm>> -> memref<16x768xf32, #tpu.memory_space<hbm>>
    %dma_wait3A_48 = arith.constant 0 : i32
    %dma_wait3A_49 = tpu.memref_slice %arg4[%mul3A_2, %dma_wait3A_48] : memref<204800x768xf32, #tpu.memory_space<hbm>> -> memref<16x768xf32, #tpu.memory_space<hbm>>
    tpu.wait_dma2 semaphore(%arg27 : memref<!tpu.dma_semaphore, #tpu.memory_space<semaphore_mem>>) src(%arg11 : memref<16x768xf32, #tpu.memory_space<vmem>>) dst(%dma_wait3A_49 : memref<16x768xf32, #tpu.memory_space<hbm>>)
    %dma_wait3A_50 = arith.constant 0 : i32
    %dma_wait3A_51 = tpu.memref_slice %arg4[%mul3A_2, %dma_wait3A_50] : memref<204800x768xf32, #tpu.memory_space<hbm>> -> memref<16x768xf32, #tpu.memory_space<hbm>>
    %dma_wait3A_52 = arith.constant 0 : i32
    %dma_wait3A_53 = tpu.memref_slice %arg4[%mul3A_2, %dma_wait3A_52] : memref<204800x768xf32, #tpu.memory_space<hbm>> -> memref<16x768xf32, #tpu.memory_space<hbm>>
    tpu.wait_dma2 semaphore(%arg28 : memref<!tpu.dma_semaphore, #tpu.memory_space<semaphore_mem>>) src(%arg12 : memref<16x768xf32, #tpu.memory_space<vmem>>) dst(%dma_wait3A_53 : memref<16x768xf32, #tpu.memory_space<hbm>>)
    %dma_wait3A_54 = arith.constant 0 : i32
    %dma_wait3A_55 = tpu.memref_slice %arg4[%mul3A_2, %dma_wait3A_54] : memref<204800x768xf32, #tpu.memory_space<hbm>> -> memref<16x768xf32, #tpu.memory_space<hbm>>
    %dma_wait3A_56 = arith.constant 0 : i32
    %dma_wait3A_57 = tpu.memref_slice %arg4[%mul3A_2, %dma_wait3A_56] : memref<204800x768xf32, #tpu.memory_space<hbm>> -> memref<16x768xf32, #tpu.memory_space<hbm>>
    tpu.wait_dma2 semaphore(%arg29 : memref<!tpu.dma_semaphore, #tpu.memory_space<semaphore_mem>>) src(%arg13 : memref<16x768xf32, #tpu.memory_space<vmem>>) dst(%dma_wait3A_57 : memref<16x768xf32, #tpu.memory_space<hbm>>)
    return
  }
}

</mosaic_0001>

<sc_bundles>
// kernel: kernel.3.cloned.1.call-start
scs
__scs_entry_jumppad:
0x0: {  	(pc) =	sbr.rel $0x88, $3  }
0x1: {  	(tag) =	ssettag $0x0;
	lr =	simm.s32 $0x1  }
0x2: {  	[smem:$0x3F9F] =	sst lr;
	_ =	strace $0xD0000000  }
0x3: {  	_ = 	snop  }
0x4: {  	_ = 	snop  }
0x5: {  	_ = 	snop  }
0x6: {  	_ = 	snop  }
0x7: {  	_ = 	snop  }
__scs_overlays_trampoline_lowered:
0x8: {  	[smem:$0x3FAE] =	sst s0  }
0x9: {  	[smem:$0x3FAF] =	sst s1  }
0xa: {  	[smem:$0x3FB0] =	sst s2  }
0xb: {  	[smem:$0x3FB1] =	sst s3  }
0xc: {  	[smem:$0x3FB2] =	sst s4  }
0xd: {  	[smem:$0x3FB3] =	sst s5  }
0xe: {  	[smem:$0x3FB4] =	sst s6  }
0xf: {  	[smem:$0x3FB5] =	sst s7  }
0x10: {  	[smem:$0x3FB6] =	sst s8  }
0x11: {  	[smem:$0x3FB7] =	sst s9;
	s0 =	simm.s32 @!p0 $0x0  }
0x12: {  	s1 =	sld [smem:$0x3F9D];
	s0 =	simm.s32 @p0 $0x1  }
0x13: {  	[smem:$0x3FB8] =	sst s0;
	s0 =	simm.s32 @!p1 $0x0  }
0x14: {  	s2 =	sld [smem:$0x3F9C];
	s0 =	simm.s32 @p1 $0x1  }
0x15: {  	[smem:$0x3FB9] =	sst s0;
	s0 =	simm.s32 @!p2 $0x0  }
0x16: {  	s3 =	sld [smem:$0x3FDB];
	s0 =	simm.s32 @p2 $0x1  }
0x17: {  	s4 =	simm.s32 $0x1BF5;
	[smem:$0x3FBB] =	sst s0  }
0x18: {  	s0 =	sld [smem:$0x3F9E];
	_ =	swait.ge [sflag:s4], $0x0  }
0x19: {  	s7 =	sld [smem:$0x3F9F]  }
0x1a: {  	s8 =	sadd.s32 $0xFFFFE003, lr  }
0x1b: {  	s9 =	sadd.s32 $0xFFFFFEF7, lr;
	s5 =	simm.s32 $0xFFFFFFFF;
	p2 =	slt.u32 s8, $0xFFFFF086  }
0x1c: {  	p1 =	slt.u32 s9, $0xF7A;
	s5 =	simm.s32 @!p2 $0x0  }
0x1d: {  	s5 =	simm.s32 @p1 $0x1;
	p0 =	seq.s32 s7, s2  }
0x1e: {  	s7 =	smul.u32 @!p0 $0xF7A, s2;
	p2 =	seq.s32 @!p0 s5, $0x0  }
0x1f: {  	s9 =	smul.u32 $0xF7A, s1;
	s8 =	simm.s32 @!p0 $0x1BF5;
	p2 =	por !p2, p0  }
0x20: {  	[sflag:s8] =	ssyncset.s32 @!p0 $0xFFFFF086;
	s6 =	sadd.s32 @!p0 s3, s7;
	s7 =	simm.s32 @!p0 $0x108  }
0x21: {  	s3 =	sadd.s32 s3, s9;
	s6 =	sadd.s32 @!p0 $0x88, s6;
	s7 =	simm.s32 @p2 $0x1082  }
0x22: {  	[simem:s7], [sflag:s8] =	dma.local @!p0 [hbm:s6], $0xF7A  }
0x23: {  	s9 =	sor.u32 $0xD0000000, s2;
	s6 =	simm.s32 $0x108;
	_ =	swait.ge @!p0 [sflag:s8], $0x0  }
0x24: {  	s3 =	sadd.s32 $0x88, s3;
	s6 =	simm.s32 @!p1 $0x1082;
	[sflag:s4] =	ssyncset.s32 $0xFFFFF086  }
0x25: {  	[simem:s6], [sflag:s4] =	dma.local [hbm:s3], $0xF7A  }
0x26: {  	[smem:$0x3F9F] =	sst s1;
	(tag) =	ssettag s2;
	_ =	strace s9  }
0x27: {  	s1 =	sld [smem:$0x3FAF]  }
0x28: {  	s2 =	sld [smem:$0x3FB0]  }
0x29: {  	s4 =	sld [smem:$0x3FB2]  }
0x2a: {  	p0 =	seq.s32 s5, $0x0;
	s5 =	sld [smem:$0x3FB3]  }
0x2b: {  	s6 =	sld [smem:$0x3FB4]  }
0x2c: {  	s7 =	sld [smem:$0x3FB5]  }
0x2d: {  	s3 =	simm.s32 $0x108;
	s8 =	sld [smem:$0x3FB6]  }
0x2e: {  	s3 =	simm.s32 @!p0 $0x1082;
	s9 =	sld [smem:$0x3FB7]  }
0x2f: {  	lr =	sadd.s32 s0, s3;
	s0 =	sld [smem:$0x3FAE]  }
0x30: {  	s3 =	sld [smem:$0x3FB1]  }
0x31: {  	[smem:$0x3FBA] =	sst s10  }
0x32: {  	s10 =	sld [smem:$0x3FB8];
	_ =	sdelay $0x3  }
0x33: {  	p0 =	seq.s32 s10, $0x1;
	s10 =	sld [smem:$0x3FBA];
	_ =	sdelay $0x3  }
0x34: {  	[smem:$0x3FBA] =	sst s10  }
0x35: {  	s10 =	sld [smem:$0x3FB9];
	_ =	sdelay $0x3  }
0x36: {  	p1 =	seq.s32 s10, $0x1;
	s10 =	sld [smem:$0x3FBA];
	_ =	sdelay $0x3  }
0x37: {  	[smem:$0x3FBA] =	sst s10  }
0x38: {  	s10 =	sld [smem:$0x3FBB]  }
0x39: {  	_ = 	snop;
	(pc) =	sbr.ind lr, $3  }
0x3a: {  	_ = 	snop  }
0x3b: {  	_ = 	snop  }
0x3c: {  	p2 =	seq.s32 s10, $0x1;
	s10 =	sld [smem:$0x3FBA]  }
0x3d: {  	_ =	shalt  }
0x3e: {  	_ =	shalt  }
0x3f: {  	_ =	shalt  }
0x40: {  	_ =	shalt  }
0x41: {  	_ =	shalt  }
0x42: {  	_ =	shalt  }
0x43: {  	_ =	shalt  }
0x44: {  	_ =	shalt  }
0x45: {  	_ =	shalt  }
0x46: {  	_ =	shalt  }
0x47: {  	_ =	shalt  }
0x48: {  	_ =	shalt  }
0x49: {  	_ =	shalt  }
0x4a: {  	_ =	shalt  }
0x4b: {  	_ =	shalt  }
0x4c: {  	_ =	shalt  }
0x4d: {  	_ =	shalt  }
0x4e: {  	_ =	shalt  }
0x4f: {  	_ =	shalt  }
0x50: {  	_ =	shalt  }
0x51: {  	_ =	shalt  }
0x52: {  	_ =	shalt  }
0x53: {  	_ =	shalt  }
0x54: {  	_ =	shalt  }
0x55: {  	_ =	shalt  }
0x56: {  	_ =	shalt  }
0x57: {  	_ =	shalt  }
0x58: {  	_ =	shalt  }
0x59: {  	_ =	shalt  }
0x5a: {  	_ =	shalt  }
0x5b: {  	_ =	shalt  }
0x5c: {  	_ =	shalt  }
0x5d: {  	_ =	shalt  }
0x5e: {  	_ =	shalt  }
0x5f: {  	_ =	shalt  }
0x60: {  	_ =	shalt  }
0x61: {  	_ =	shalt  }
0x62: {  	_ =	shalt  }
0x63: {  	_ =	shalt  }
0x64: {  	_ =	shalt  }
0x65: {  	_ =	shalt  }
0x66: {  	_ =	shalt  }
0x67: {  	_ =	shalt  }
0x68: {  	_ =	shalt  }
0x69: {  	_ =	shalt  }
0x6a: {  	_ =	shalt  }
0x6b: {  	_ =	shalt  }
0x6c: {  	_ =	shalt  }
0x6d: {  	_ =	shalt  }
0x6e: {  	_ =	shalt  }
0x6f: {  	_ =	shalt  }
0x70: {  	_ =	shalt  }
0x71: {  	_ =	shalt  }
0x72: {  	_ =	shalt  }
0x73: {  	_ =	shalt  }
0x74: {  	_ =	shalt  }
0x75: {  	_ =	shalt  }
0x76: {  	_ =	shalt  }
0x77: {  	_ =	shalt  }
0x78: {  	_ =	shalt  }
0x79: {  	_ =	shalt  }
0x7a: {  	_ =	shalt  }
0x7b: {  	_ =	shalt  }
0x7c: {  	_ =	shalt  }
0x7d: {  	_ =	shalt  }
0x7e: {  	_ =	shalt  }
0x7f: {  	_ =	shalt  }
0x80: {  	_ =	shalt  }
0x81: {  	_ =	shalt  }
0x82: {  	_ =	shalt  }
0x83: {  	_ =	shalt  }
0x84: {  	_ =	shalt  }
0x85: {  	_ =	shalt  }
0x86: {  	_ =	shalt  }
0x87: {  	_ =	shalt  }
.Lfunc_end0:
.L_simem_size_0:
called_computation_lowered:
.L_overlay_start_0:
0x88: {  	s2 =	sld [smem:$0x3FD9]  }
0x89: {  	s3 =	sld [smem:$0x3FFE];
	_ =	sdelay $0x1  }
0x8a: {  	s1 =	srdreg.scid  }
0x8b: {  	s0 =	sand.u32 $0x1, s1  }
0x8c: {  	s17 =	sshll.u32 s0, $0xA;
	s2 =	sadd.s32 s3, s2  }
0x8d: {  	s2 =	sadd.s32 s2, s17  }
0x8e: {  	[smem:$0x3FC6] =	sst s2  }
0x8f: {  	_ = 	snop  }
0x90: {  	s2 =	sld [smem:$0x3FC8]  }
0x91: {  	s18 =	sld [smem:$0x3FD0];
	(tm) =	ssettm $0x1  }
0x92: {  	s4 =	sld [smem:$0x3FFB];
	_ =	sdelay $0x3  }
0x93: {  	_ =	strace s4  }
0x94: {  	s4 =	sld [smem:$0x3FFC];
	_ =	sdelay $0x3  }
0x95: {  	_ =	strace s4  }
0x96: {  	s4 =	sld [smem:$0x3FFD];
	_ =	sdelay $0x3  }
0x97: {  	_ =	strace s4  }
0x98: {  	_ =	strace $0x8FFFFFFF  }
0x99: {  	s19 =	sld [smem:$0x3FDB];
	_ =	sdelay $0x1  }
0x9a: {  	s5 =	simm.s32 $_scs_section_size  }
0x9b: {  	s6 =	simm.s32 $_size__tile_overlayer_lowered;
	s7 =	simm.s32 $_tile_overlayer_lowered  }
0x9c: {  	s22 =	simm.s32 $0x1BFF;
	s21 =	sshll.u32 s7, $0x1;
	s4 =	sadd.s32 s5, s19  }
0x9d: {  	s8 =	simm.s32 $0x0;
	s20 =	sshll.u32 s6, $0x1;
	s6 =	sadd.s32 s21, s4  }
0x9e: {  	[timem:s8], [sflag:s22] =	dma.local [hbm:s6], s20  }
0x9f: {  	_ =	swait.ge [sflag:s22], s20  }
0xa0: {  	s5 =	ssub.s32 $0x0, s20;
	[sflag:s22] =	ssyncset.done $0x0  }
0xa1: {  	[sflag:s22] =	ssyncadd.s32 s5;
	_ =	sdelay $0x1  }
0xa2: {  	s23 =	simm.s32 $0x1B8B  }
0xa3: {  	_ =	swait.ge [sflag:s23], $0x1  }
0xa4: {  	[sflag:s23] =	ssyncset.done $0x0  }
0xa5: {  	s25 =	simm.s32 $0x1B8E;
	s24 =	sld [smem:$0x3FFE];
	[sflag:s23] =	ssyncadd.s32 $0xFFFFFFFF  }
0xa6: {  	s26 =	simm.s32 $execute0_lowered;
	[smem:$0x3FD2] =	sst s25  }
0xa7: {  	s6 =	sshll.u32 s26, $0x1;
	_ =	strace $0x80000046;
	[dreg:$0x1] =	wrdreg $0xFFFFFFFF  }
0xa8: {  	s28 =	simm.s32 $_size_execute0_lowered;
	s4 =	sadd.s32 s4, s6;
	[dreg:$0x0] =	wrdreg $0x0  }
0xa9: {  	s6 =	sshll.u32 s28, $0x1;
	[dreg:$0x2] =	wrdreg s4  }
0xaa: {  	[dreg:$0x3] =	wrdreg s6  }
0xab: {  	[dreg:$0x4] =	wrdreg $0xC0  }
0xac: {  	_ =	task [dreg:s8], $0x5FFFF  }
0xad: {  	[dreg:$0x1] =	wrdreg $0xFFFFFFFF  }
0xae: {  	[dreg:$0x0] =	wrdreg $0x60  }
0xaf: {  	[dreg:$0x2] =	wrdreg s24  }
0xb0: {  	[dreg:$0x3] =	wrdreg s2  }
0xb1: {  	[dreg:$0x4] =	wrdreg s18  }
0xb2: {  	[dreg:$0x5] =	wrdreg $0x9  }
0xb3: {  	_ =	task.clear_ibuf [dreg:s8], $0x6FFFF;
	_ =	strace $0x90000046  }
0xb4: {  	s29 =	simm.s32 $0x9;
	_ =	strace $0x80000048  }
0xb5: {  	_ =	swait.ge [sflag:s29], $0x1  }
0xb6: {  	[sflag:s29] =	ssyncadd.s32 $0xFFFFFFFF  }
0xb7: {  	_ =	strace $0x90000048  }
0xb8: {  	_ =	sfence  }
0xb9: {  	s30 =	sld [smem:$0x0];
	_ =	sdelay $0x2  }
0xba: {  	s31 =	sshll.u32 s1, $0xD;
	s1 =	sshrl.u32 s1, $0x2  }
0xbb: {  	s3 =	sand.u32 $0x4000, s31;
	s1 =	sadd.s32 s1, s30  }
0xbc: {  	s0 =	sor.u32 s3, s0;
	s1 =	sshll.u32 s1, $0x11  }
0xbd: {  	s0 =	sor.u32 s1, s0  }
0xbe: {  	s0 =	sadd.s32 $0x8F2B, s0  }
0xbf: {  	[sflag:s0] =	ssyncadd.remote.s32 $0x1  }
0xc0: {  	_ =	sfence.sel $0xFFFF  }
0xc1: {  	[dreg:$0x0] =	wrdreg $0xFFFFFFFF;
	(pc) =	sbr.abs _section_cstart, $3  }
0xc2: {  	[dreg:$0x1] =	wrdreg $0xFFFFFFFF  }
0xc3: {  	_ =	task.clear_ibuf [dreg:s8], $0x2FFFF;
	_ =	strace $0x9FFFFFFF  }
0xc4: {  	(tm) =	ssettm $0x7FFFFFFF  }
0xc5: {  	_ =	shalt  }
tec
execute0_lowered:
.L_overlay_start_1:
0x0: {  	(tag) =	ssettag $0x1  }
0x1: {  	s0 =	rddreg [dreg:$0x0]  }
0x2: {  	s1 =	rddreg [dreg:$0x1];
	s2 =	srdreg.scid  }
0x3: {  	s4 =	stileid.u32;
	s5 =	rddreg [dreg:$0x2]  }
0x4: {  	s10 =	simm.s32 $0xF900;
	s11 =	simm.s32 $0x10100;
	s12 =	simm.s32 $0x11100  }
0x5: {  	s13 =	simm.s32 $0x11900;
	s28 =	simm.s32 $0xA900;
	s29 =	simm.s32 $0xC  }
0x6: {  	s30 =	simm.s32 $0xD;
	s2 =	sand.u32 $0x1, s2;
	s3 =	sshll.u32 s4, $0x1  }
0x7: {  	s4 =	smul.u32 $0x3200, s4;
	s6 =	sor.u32 s2, s3;
	s3 =	simm.s32 $0x0  }
0x8: {  	s31 =	simm.s32 $0xE;
	s7 =	smul.u32 $0x1900, s2;
	[smem:$0x7FF] =	sst s3  }
0x9: {  	s2 =	ssub.s32 $0x2, s2;
	_ =	strace $0x80000047;
	[dreg:$0xf] =	wrdreg s10  }
0xa: {  	s6 =	smul.u32 $0x1900, s6;
	s18 =	sshrl.u32 s2, $0x1;
	[dreg:$0x10] =	wrdreg s11  }
0xb: {  	s4 =	sadd.s32 s7, s4;
	s2 =	ssub.s32 s2, s18;
	[dreg:$0x11] =	wrdreg s12  }
0xc: {  	[dreg:$0x12] =	wrdreg s13;
	s18 =	simm.s32 $0x14900;
	s10 =	simm.s32 $0xD900  }
0xd: {  	s11 =	simm.s32 $0x1;
	s12 =	simm.s32 $0x10900;
	s13 =	simm.s32 $0x2  }
0xe: {  	s6 =	sshrl.u32 s6, $0x3;
	s7 =	sor.u32 $0x40, s4;
	s15 =	sshrl.u32 s4, $0x3  }
0xf: {  	s8 =	sor.u32 $0x50, s4;
	s9 =	sor.u32 $0x30, s4;
	s21 =	sor.u32 $0x20, s4  }
0x10: {  	s23 =	sor.u32 $0x10, s4;
	s24 =	sor.u32 $0x60, s4;
	s4 =	sor.u32 $0x70, s4  }
0x11: {  	s2 =	smax.u32 s2, $0x1;
	[dreg:$0x17] =	wrdreg s18;
	s18 =	simm.s32 $0x4  }
0x12: {  	s0 =	sadd.s32 s6, s0;
	s14 =	sshrl.u32 s7, $0x3;
	s7 =	smul.u32 $0x300, s15  }
0x13: {  	s8 =	sshrl.u32 s8, $0x3;
	s9 =	sshrl.u32 s9, $0x3;
	s22 =	sshrl.u32 s21, $0x3  }
0x14: {  	s4 =	sshrl.u32 s4, $0x3;
	[smem:$0x7FD] =	sst s2;
	s15 =	simm.s32 $0x12900  }
0x15: {  	s21 =	simm.s32 $0x16100;
	s2 =	simm.s32 $0xF;
	[dreg:$0x14] =	wrdreg s15  }
0x16: {  	s6 =	smul.u32 $0x300, s14;
	s0 =	sadd.s32 $0x400, s0;
	[dreg:$0x1a] =	wrdreg s21  }
0x17: {  	s17 =	smul.u32 $0x300, s9;
	s9 =	simm.s32 $0xF100;
	[smem:$0x7FC] =	sst s0  }
0x18: {  	s8 =	smul.u32 $0x300, s8;
	s14 =	simm.s32 $0x12100;
	[dreg:$0xe] =	wrdreg s9  }
0x19: {  	s4 =	smul.u32 $0x300, s4;
	s16 =	sadd.s32 s7, s5;
	[dreg:$0x13] =	wrdreg s14  }
0x1a: {  	s7 =	sshrl.u32 s23, $0x3;
	s23 =	simm.s32 $0x17900;
	[dreg:$0x5] =	wrdreg s16  }
0x1b: {  	s15 =	simm.s32 $0x4900;
	s6 =	sadd.s32 s6, s5;
	[dreg:$0x1c] =	wrdreg s23  }
0x1c: {  	s21 =	simm.s32 $0x7900;
	s19 =	sadd.s32 s8, s5;
	[dreg:$0x4] =	wrdreg s6  }
0x1d: {  	s9 =	simm.s32 $0x1900;
	s20 =	sadd.s32 s17, s5;
	[dreg:$0x6] =	wrdreg s19  }
0x1e: {  	s14 =	simm.s32 $0x13900;
	s16 =	simm.s32 $0x13100;
	[dreg:$0x7] =	wrdreg s20  }
0x1f: {  	s0 =	simm.s32 $0x10;
	s17 =	simm.s32 $0x14100;
	[dreg:$0x15] =	wrdreg s16  }
0x20: {  	s8 =	sshrl.u32 s24, $0x3;
	s24 =	simm.s32 $0x18100;
	[dreg:$0x16] =	wrdreg s17  }
0x21: {  	s7 =	smul.u32 $0x300, s7;
	s19 =	simm.s32 $0x15100;
	[dreg:$0x1d] =	wrdreg s24  }
0x22: {  	s23 =	simm.s32 $0x8;
	s20 =	simm.s32 $0x15900;
	[dreg:$0x18] =	wrdreg s19  }
0x23: {  	s6 =	smul.u32 $0x300, s22;
	s22 =	simm.s32 $0x17100;
	[dreg:$0x19] =	wrdreg s20  }
0x24: {  	s8 =	smul.u32 $0x300, s8;
	s25 =	sadd.s32 s7, s5;
	[dreg:$0x1b] =	wrdreg s22  }
0x25: {  	s16 =	simm.s32 $0x3;
	s7 =	simm.s32 $0xE100;
	[dreg:$0x9] =	wrdreg s25  }
0x26: {  	s17 =	simm.s32 $0x16900;
	s6 =	sadd.s32 s6, s5;
	[dreg:$0xc] =	wrdreg s7  }
0x27: {  	s19 =	simm.s32 $0x5;
	s26 =	sadd.s32 s8, s5;
	[dreg:$0x8] =	wrdreg s6  }
0x28: {  	s20 =	simm.s32 $0x6;
	s8 =	simm.s32 $0xE900;
	[dreg:$0xa] =	wrdreg s26  }
0x29: {  	s22 =	simm.s32 $0x7;
	s25 =	simm.s32 $0x18900;
	[dreg:$0xd] =	wrdreg s8  }
0x2a: {  	v2 =	vlaneseq.u32;
	s6 =	sadd.s32 s4, s5;
	s5 =	sadd.s32 $0x100, s1;
	[dreg:$0x1e] =	wrdreg s25  }
0x2b: {  	vm0 =	vmmov $0xffff;
	v1 =	vshrl.u32 v2, $0x3;
	s26 =	simm.s32 $0x19100;
	s4 =	simm.s32 $0x0;
	[dreg:$0xb] =	wrdreg s6  }
0x2c: {  	v0 =	vand.u32 $0x7, v2;
	v2 =	vor.u32 $0x8, v2;
	v1 =	vmul.u32 $0x8, v1;
	s6 =	sadd.s32 $0x200, s1;
	[dreg:$0x1f] =	wrdreg s26;
	s26 =	simm.s32 $0xB  }
.LBB2_1:
0x2d: {  	s7 =	sld [smem:$0x7FC];
	_ =	sdelay $0x1  }
0x2e: {  	s8 =	simm.s32 $0x11  }
0x2f: {  	[tilespmem:s3], [sflag:$0x11] =	stream.linear.gather [hbm4b:s7+s3], $0x1900, $0x38;
	[tilespmem:$0x19900] =	vst v63  }
0x30: {  	_ =	swait.ge [sflag:s8], $0x1900  }
0x31: {  	[sflag:s8] =	ssyncset.done $0x0  }
0x32: {  	[sflag:s8] =	ssyncadd.s32 $0xFFFFE700  }
0x33: {  	v3 =	vld [tilespmem:$0x0];
	_ =	sdelay $0x4  }
0x34: {  	v4 =	vshrl.u32 v3, $0x3  }
0x35: {  	v4 =	vmul.u32 $0x30, v4  }
0x36: {  	v3 =	vand.u32 $0x7, v3  }
0x37: {  	v3 =	vor.u32 v3, v4  }
0x38: {  	v4 =	vperm.xlane v3, v0;
	_ =	sdelay $0x1  }
0x39: {  	v4 =	vadd.s32 v1, v4;
	_ =	sdelay $0x3  }
0x3a: {  	v3 =	vperm.xlane v3, v2  }
0x3b: {  	[tilespmem:s9], [sflag:$0x1] =	stream.indirect_vreg.gather [hbm4b:s1+s3], $0x80, v4, vm0, $0xb8;
	[tilespmem:$0x19900] =	vst v63  }
0x3c: {  	s24 =	simm.s32 $0x2100;
	v3 =	vadd.s32 v1, v3  }
0x3d: {  	[tilespmem:s24], [sflag:$0x1] =	stream.indirect_vreg.gather [hbm4b:s5+s3], $0x80, v4, vm0, $0xb8;
	[tilespmem:$0x19900] =	vst v63  }
0x3e: {  	s25 =	simm.s32 $0x2900  }
0x3f: {  	[tilespmem:s25], [sflag:$0x1] =	stream.indirect_vreg.gather [hbm4b:s6+s3], $0x80, v4, vm0, $0xb8;
	[tilespmem:$0x19900] =	vst v63  }
0x40: {  	s8 =	simm.s32 $0x3100  }
0x41: {  	[tilespmem:s8], [sflag:$0x1] =	stream.indirect_vreg.gather [hbm4b:s1+s3], $0x80, v3, vm0, $0xb8;
	[tilespmem:$0x19900] =	vst v63  }
0x42: {  	s24 =	simm.s32 $0x3900  }
0x43: {  	[tilespmem:s24], [sflag:$0x1] =	stream.indirect_vreg.gather [hbm4b:s5+s3], $0x80, v3, vm0, $0xb8;
	[tilespmem:$0x19900] =	vst v63  }
0x44: {  	s25 =	simm.s32 $0x4100  }
0x45: {  	[tilespmem:s25], [sflag:$0x1] =	stream.indirect_vreg.gather [hbm4b:s6+s3], $0x80, v3, vm0, $0xb8;
	[tilespmem:$0x19900] =	vst v63  }
0x46: {  	v3 =	vld [tilespmem:$0x10];
	_ =	sdelay $0x4  }
0x47: {  	v61 =	vshrl.u32 v3, $0x3  }
0x48: {  	v4 =	vmul.u32 $0x30, v61  }
0x49: {  	v3 =	vand.u32 $0x7, v3  }
0x4a: {  	v3 =	vor.u32 v3, v4  }
0x4b: {  	v4 =	vperm.xlane v3, v0;
	_ =	sdelay $0x1  }
0x4c: {  	v4 =	vadd.s32 v1, v4;
	_ =	sdelay $0x3  }
0x4d: {  	v3 =	vperm.xlane v3, v2  }
0x4e: {  	[tilespmem:s15], [sflag:$0x2] =	stream.indirect_vreg.gather [hbm4b:s1+s3], $0x80, v4, vm0, $0xb8;
	[tilespmem:$0x19900] =	vst v63  }
0x4f: {  	s8 =	simm.s32 $0x5100;
	v3 =	vadd.s32 v1, v3  }
0x50: {  	[tilespmem:s8], [sflag:$0x2] =	stream.indirect_vreg.gather [hbm4b:s5+s3], $0x80, v4, vm0, $0xb8;
	[tilespmem:$0x19900] =	vst v63  }
0x51: {  	s24 =	simm.s32 $0x5900  }
0x52: {  	[tilespmem:s24], [sflag:$0x2] =	stream.indirect_vreg.gather [hbm4b:s6+s3], $0x80, v4, vm0, $0xb8;
	[tilespmem:$0x19900] =	vst v63  }
0x53: {  	s25 =	simm.s32 $0x6100  }
0x54: {  	[tilespmem:s25], [sflag:$0x2] =	stream.indirect_vreg.gather [hbm4b:s1+s3], $0x80, v3, vm0, $0xb8;
	[tilespmem:$0x19900] =	vst v63  }
0x55: {  	s8 =	simm.s32 $0x6900  }
0x56: {  	[tilespmem:s8], [sflag:$0x2] =	stream.indirect_vreg.gather [hbm4b:s5+s3], $0x80, v3, vm0, $0xb8;
	[tilespmem:$0x19900] =	vst v63  }
0x57: {  	s24 =	simm.s32 $0x7100  }
0x58: {  	[tilespmem:s24], [sflag:$0x2] =	stream.indirect_vreg.gather [hbm4b:s6+s3], $0x80, v3, vm0, $0xb8;
	[tilespmem:$0x19900] =	vst v63  }
0x59: {  	v3 =	vld [tilespmem:$0x20];
	_ =	sdelay $0x4  }
0x5a: {  	v62 =	vshrl.u32 v3, $0x3  }
0x5b: {  	v4 =	vmul.u32 $0x30, v62  }
0x5c: {  	v3 =	vand.u32 $0x7, v3  }
0x5d: {  	v3 =	vor.u32 v3, v4  }
0x5e: {  	v4 =	vperm.xlane v3, v0;
	_ =	sdelay $0x1  }
0x5f: {  	v4 =	vadd.s32 v1, v4;
	_ =	sdelay $0x3  }
0x60: {  	v3 =	vperm.xlane v3, v2  }
0x61: {  	[tilespmem:s21], [sflag:$0x3] =	stream.indirect_vreg.gather [hbm4b:s1+s3], $0x80, v4, vm0, $0xb8;
	[tilespmem:$0x19900] =	vst v63  }
0x62: {  	s25 =	simm.s32 $0x8100;
	v3 =	vadd.s32 v1, v3  }
0x63: {  	[tilespmem:s25], [sflag:$0x3] =	stream.indirect_vreg.gather [hbm4b:s5+s3], $0x80, v4, vm0, $0xb8;
	[tilespmem:$0x19900] =	vst v63  }
0x64: {  	s8 =	simm.s32 $0x8900  }
0x65: {  	[tilespmem:s8], [sflag:$0x3] =	stream.indirect_vreg.gather [hbm4b:s6+s3], $0x80, v4, vm0, $0xb8;
	[tilespmem:$0x19900] =	vst v63  }
0x66: {  	s24 =	simm.s32 $0x9100  }
0x67: {  	[tilespmem:s24], [sflag:$0x3] =	stream.indirect_vreg.gather [hbm4b:s1+s3], $0x80, v3, vm0, $0xb8;
	[tilespmem:$0x19900] =	vst v63  }
0x68: {  	s25 =	simm.s32 $0x9900  }
0x69: {  	[tilespmem:s25], [sflag:$0x3] =	stream.indirect_vreg.gather [hbm4b:s5+s3], $0x80, v3, vm0, $0xb8;
	[tilespmem:$0x19900] =	vst v63  }
0x6a: {  	s8 =	simm.s32 $0xA100  }
0x6b: {  	[tilespmem:s8], [sflag:$0x3] =	stream.indirect_vreg.gather [hbm4b:s6+s3], $0x80, v3, vm0, $0xb8;
	[tilespmem:$0x19900] =	vst v63  }
0x6c: {  	v3 =	vld [tilespmem:$0x30];
	_ =	sdelay $0x4  }
0x6d: {  	v63 =	vshrl.u32 v3, $0x3  }
0x6e: {  	v4 =	vmul.u32 $0x30, v63  }
0x6f: {  	v3 =	vand.u32 $0x7, v3  }
0x70: {  	v3 =	vor.u32 v3, v4  }
0x71: {  	v4 =	vperm.xlane v3, v0;
	_ =	sdelay $0x1  }
0x72: {  	v4 =	vadd.s32 v1, v4;
	_ =	sdelay $0x3  }
0x73: {  	v3 =	vperm.xlane v3, v2  }
0x74: {  	[tilespmem:s28], [sflag:$0x4] =	stream.indirect_vreg.gather [hbm4b:s1+s3], $0x80, v4, vm0, $0xb8;
	[tilespmem:$0x19900] =	vst v63  }
0x75: {  	s24 =	simm.s32 $0xB100;
	v3 =	vadd.s32 v1, v3  }
0x76: {  	[tilespmem:s24], [sflag:$0x4] =	stream.indirect_vreg.gather [hbm4b:s5+s3], $0x80, v4, vm0, $0xb8;
	[tilespmem:$0x19900] =	vst v63  }
0x77: {  	s25 =	simm.s32 $0xB900  }
0x78: {  	[tilespmem:s25], [sflag:$0x4] =	stream.indirect_vreg.gather [hbm4b:s6+s3], $0x80, v4, vm0, $0xb8;
	[tilespmem:$0x19900] =	vst v63  }
0x79: {  	s8 =	simm.s32 $0xC100  }
0x7a: {  	[tilespmem:s8], [sflag:$0x4] =	stream.indirect_vreg.gather [hbm4b:s1+s3], $0x80, v3, vm0, $0xb8;
	[tilespmem:$0x19900] =	vst v63  }
0x7b: {  	s24 =	simm.s32 $0xC900  }
0x7c: {  	[tilespmem:s24], [sflag:$0x4] =	stream.indirect_vreg.gather [hbm4b:s5+s3], $0x80, v3, vm0, $0xb8;
	[tilespmem:$0x19900] =	vst v63  }
0x7d: {  	s7 =	simm.s32 $0x60;
	s25 =	simm.s32 $0xD100;
	s8 =	simm.s32 $0x0  }
0x7e: {  	[tilespmem:s25], [sflag:$0x4] =	stream.indirect_vreg.gather [hbm4b:s6+s3], $0x80, v3, vm0, $0xb8;
	[tilespmem:$0x19900] =	vst v63  }
.LBB2_2:
0x7f: {  	p0 =	seq.s32 s8, $0x0  }
0x80: {  	s24 =	simm.s32 @!p0 $0xD  }
0x81: {  	_ =	swait.ge @!p0 [sflag:s24], $0x3000  }
0x82: {  	[sflag:s24] =	ssyncset.done @!p0 $0x0  }
0x83: {  	[sflag:s24] =	ssyncadd.s32 @!p0 $0xFFFFD000  }
0x84: {  	v3 =	vld [tilespmem:s7+$0xFFFFFFE0];
	_ =	sdelay $0x4  }
0x85: {  	v4 =	vshrl.u32 v3, $0x3  }
0x86: {  	v4 =	vmul.u32 $0x30, v4  }
0x87: {  	v3 =	vand.u32 $0x7, v3  }
0x88: {  	v3 =	vor.u32 v3, v4  }
0x89: {  	v4 =	vperm.xlane v3, v0;
	_ =	sdelay $0x1  }
0x8a: {  	v4 =	vadd.s32 v1, v4;
	_ =	sdelay $0x3  }
0x8b: {  	v3 =	vperm.xlane v3, v2  }
0x8c: {  	[tilespmem:s10], [sflag:$0x5] =	stream.indirect_vreg.gather [hbm4b:s1+s3], $0x80, v4, vm0, $0xb8;
	[tilespmem:$0x19900] =	vst v63  }
0x8d: {  	s24 =	rddreg [dreg:$0xc];
	v3 =	vadd.s32 v1, v3  }
0x8e: {  	[tilespmem:s24], [sflag:$0x5] =	stream.indirect_vreg.gather [hbm4b:s5+s3], $0x80, v4, vm0, $0xb8;
	[tilespmem:$0x19900] =	vst v63  }
0x8f: {  	s25 =	rddreg [dreg:$0xd]  }
0x90: {  	[tilespmem:s25], [sflag:$0x5] =	stream.indirect_vreg.gather [hbm4b:s6+s3], $0x80, v4, vm0, $0xb8;
	[tilespmem:$0x19900] =	vst v63  }
0x91: {  	s24 =	rddreg [dreg:$0xe]  }
0x92: {  	[tilespmem:s24], [sflag:$0x5] =	stream.indirect_vreg.gather [hbm4b:s1+s3], $0x80, v3, vm0, $0xb8;
	[tilespmem:$0x19900] =	vst v63  }
0x93: {  	s25 =	rddreg [dreg:$0xf]  }
0x94: {  	[tilespmem:s25], [sflag:$0x5] =	stream.indirect_vreg.gather [hbm4b:s5+s3], $0x80, v3, vm0, $0xb8;
	[tilespmem:$0x19900] =	vst v63  }
0x95: {  	s24 =	rddreg [dreg:$0x10]  }
0x96: {  	[tilespmem:s24], [sflag:$0x5] =	stream.indirect_vreg.gather [hbm4b:s6+s3], $0x80, v3, vm0, $0xb8;
	[tilespmem:$0x19900] =	vst v63  }
0x97: {  	_ =	swait.ge [sflag:s11], $0x3000  }
0x98: {  	s25 =	rddreg [dreg:$0x5];
	[sflag:s11] =	ssyncset.done $0x0  }
0x99: {  	[sflag:s11] =	ssyncadd.s32 $0xFFFFD000;
	s24 =	sadd.s32 s8, s25  }
0x9a: {  	[hbm4b:s24+s3] =	stream.linear.scatter [tilespmem:s9], [sflag:$0x9], $0x3000, $0x38;
	[tilespmem:$0x19900] =	vst v63  }
0x9b: {  	s24 =	simm.s32 @!p0 $0xE  }
0x9c: {  	_ =	swait.ge @!p0 [sflag:s24], $0x3000  }
0x9d: {  	[sflag:s24] =	ssyncset.done @!p0 $0x0  }
0x9e: {  	[sflag:s24] =	ssyncadd.s32 @!p0 $0xFFFFD000  }
0x9f: {  	v3 =	vld [tilespmem:s7+$0xFFFFFFF0];
	_ =	sdelay $0x4  }
0xa0: {  	v61 =	vshrl.u32 v3, $0x3  }
0xa1: {  	v4 =	vmul.u32 $0x30, v61  }
0xa2: {  	v3 =	vand.u32 $0x7, v3  }
0xa3: {  	v3 =	vor.u32 v3, v4  }
0xa4: {  	v4 =	vperm.xlane v3, v0;
	_ =	sdelay $0x1  }
0xa5: {  	v4 =	vadd.s32 v1, v4;
	_ =	sdelay $0x3  }
0xa6: {  	v3 =	vperm.xlane v3, v2  }
0xa7: {  	[tilespmem:s12], [sflag:$0x6] =	stream.indirect_vreg.gather [hbm4b:s1+s3], $0x80, v4, vm0, $0xb8;
	[tilespmem:$0x19900] =	vst v63  }
0xa8: {  	s24 =	rddreg [dreg:$0x11];
	v3 =	vadd.s32 v1, v3  }
0xa9: {  	[tilespmem:s24], [sflag:$0x6] =	stream.indirect_vreg.gather [hbm4b:s5+s3], $0x80, v4, vm0, $0xb8;
	[tilespmem:$0x19900] =	vst v63  }
0xaa: {  	s25 =	rddreg [dreg:$0x12]  }
0xab: {  	[tilespmem:s25], [sflag:$0x6] =	stream.indirect_vreg.gather [hbm4b:s6+s3], $0x80, v4, vm0, $0xb8;
	[tilespmem:$0x19900] =	vst v63  }
0xac: {  	s24 =	rddreg [dreg:$0x13]  }
0xad: {  	[tilespmem:s24], [sflag:$0x6] =	stream.indirect_vreg.gather [hbm4b:s1+s3], $0x80, v3, vm0, $0xb8;
	[tilespmem:$0x19900] =	vst v63  }
0xae: {  	s25 =	rddreg [dreg:$0x14]  }
0xaf: {  	[tilespmem:s25], [sflag:$0x6] =	stream.indirect_vreg.gather [hbm4b:s5+s3], $0x80, v3, vm0, $0xb8;
	[tilespmem:$0x19900] =	vst v63  }
0xb0: {  	s24 =	rddreg [dreg:$0x15]  }
0xb1: {  	[tilespmem:s24], [sflag:$0x6] =	stream.indirect_vreg.gather [hbm4b:s6+s3], $0x80, v3, vm0, $0xb8;
	[tilespmem:$0x19900] =	vst v63  }
0xb2: {  	_ =	swait.ge [sflag:s13], $0x3000  }
0xb3: {  	s25 =	rddreg [dreg:$0x9];
	[sflag:s13] =	ssyncset.done $0x0  }
0xb4: {  	[sflag:s13] =	ssyncadd.s32 $0xFFFFD000;
	s24 =	sadd.s32 s8, s25  }
0xb5: {  	[hbm4b:s24+s3] =	stream.linear.scatter [tilespmem:s15], [sflag:$0xA], $0x3000, $0x38;
	[tilespmem:$0x19900] =	vst v63  }
0xb6: {  	s24 =	simm.s32 @!p0 $0xF  }
0xb7: {  	_ =	swait.ge @!p0 [sflag:s24], $0x3000  }
0xb8: {  	[sflag:s24] =	ssyncset.done @!p0 $0x0  }
0xb9: {  	[sflag:s24] =	ssyncadd.s32 @!p0 $0xFFFFD000  }
0xba: {  	v3 =	vld [tilespmem:s7+$0x0];
	_ =	sdelay $0x4  }
0xbb: {  	v62 =	vshrl.u32 v3, $0x3  }
0xbc: {  	v4 =	vmul.u32 $0x30, v62  }
0xbd: {  	v3 =	vand.u32 $0x7, v3  }
0xbe: {  	v3 =	vor.u32 v3, v4  }
0xbf: {  	v4 =	vperm.xlane v3, v0;
	_ =	sdelay $0x1  }
0xc0: {  	v4 =	vadd.s32 v1, v4;
	_ =	sdelay $0x3  }
0xc1: {  	v3 =	vperm.xlane v3, v2  }
0xc2: {  	[tilespmem:s14], [sflag:$0x7] =	stream.indirect_vreg.gather [hbm4b:s1+s3], $0x80, v4, vm0, $0xb8;
	[tilespmem:$0x19900] =	vst v63  }
0xc3: {  	s24 =	rddreg [dreg:$0x16];
	v3 =	vadd.s32 v1, v3  }
0xc4: {  	[tilespmem:s24], [sflag:$0x7] =	stream.indirect_vreg.gather [hbm4b:s5+s3], $0x80, v4, vm0, $0xb8;
	[tilespmem:$0x19900] =	vst v63  }
0xc5: {  	s25 =	rddreg [dreg:$0x17]  }
0xc6: {  	[tilespmem:s25], [sflag:$0x7] =	stream.indirect_vreg.gather [hbm4b:s6+s3], $0x80, v4, vm0, $0xb8;
	[tilespmem:$0x19900] =	vst v63  }
0xc7: {  	s24 =	rddreg [dreg:$0x18]  }
0xc8: {  	[tilespmem:s24], [sflag:$0x7] =	stream.indirect_vreg.gather [hbm4b:s1+s3], $0x80, v3, vm0, $0xb8;
	[tilespmem:$0x19900] =	vst v63  }
0xc9: {  	s25 =	rddreg [dreg:$0x19]  }
0xca: {  	[tilespmem:s25], [sflag:$0x7] =	stream.indirect_vreg.gather [hbm4b:s5+s3], $0x80, v3, vm0, $0xb8;
	[tilespmem:$0x19900] =	vst v63  }
0xcb: {  	s24 =	rddreg [dreg:$0x1a]  }
0xcc: {  	[tilespmem:s24], [sflag:$0x7] =	stream.indirect_vreg.gather [hbm4b:s6+s3], $0x80, v3, vm0, $0xb8;
	[tilespmem:$0x19900] =	vst v63  }
0xcd: {  	_ =	swait.ge [sflag:s16], $0x3000  }
0xce: {  	s25 =	rddreg [dreg:$0x8];
	[sflag:s16] =	ssyncset.done $0x0  }
0xcf: {  	[sflag:s16] =	ssyncadd.s32 $0xFFFFD000;
	s24 =	sadd.s32 s8, s25  }
0xd0: {  	[hbm4b:s24+s3] =	stream.linear.scatter [tilespmem:s21], [sflag:$0xB], $0x3000, $0x38;
	[tilespmem:$0x19900] =	vst v63  }
0xd1: {  	s24 =	simm.s32 @!p0 $0x10  }
0xd2: {  	_ =	swait.ge @!p0 [sflag:s24], $0x3000  }
0xd3: {  	[sflag:s24] =	ssyncset.done @!p0 $0x0  }
0xd4: {  	[sflag:s24] =	ssyncadd.s32 @!p0 $0xFFFFD000  }
0xd5: {  	v3 =	vld [tilespmem:s7+$0x10];
	_ =	sdelay $0x4  }
0xd6: {  	v63 =	vshrl.u32 v3, $0x3  }
0xd7: {  	v4 =	vmul.u32 $0x30, v63  }
0xd8: {  	v3 =	vand.u32 $0x7, v3  }
0xd9: {  	v3 =	vor.u32 v3, v4  }
0xda: {  	v4 =	vperm.xlane v3, v0;
	_ =	sdelay $0x1  }
0xdb: {  	v4 =	vadd.s32 v1, v4;
	_ =	sdelay $0x3  }
0xdc: {  	v3 =	vperm.xlane v3, v2  }
0xdd: {  	[tilespmem:s17], [sflag:$0x8] =	stream.indirect_vreg.gather [hbm4b:s1+s3], $0x80, v4, vm0, $0xb8;
	[tilespmem:$0x19900] =	vst v63  }
0xde: {  	s24 =	rddreg [dreg:$0x1b];
	v3 =	vadd.s32 v1, v3  }
0xdf: {  	[tilespmem:s24], [sflag:$0x8] =	stream.indirect_vreg.gather [hbm4b:s5+s3], $0x80, v4, vm0, $0xb8;
	[tilespmem:$0x19900] =	vst v63  }
0xe0: {  	s25 =	rddreg [dreg:$0x1c]  }
0xe1: {  	[tilespmem:s25], [sflag:$0x8] =	stream.indirect_vreg.gather [hbm4b:s6+s3], $0x80, v4, vm0, $0xb8;
	[tilespmem:$0x19900] =	vst v63  }
0xe2: {  	s24 =	rddreg [dreg:$0x1d]  }
0xe3: {  	[tilespmem:s24], [sflag:$0x8] =	stream.indirect_vreg.gather [hbm4b:s1+s3], $0x80, v3, vm0, $0xb8;
	[tilespmem:$0x19900] =	vst v63  }
0xe4: {  	s25 =	rddreg [dreg:$0x1e]  }
0xe5: {  	[tilespmem:s25], [sflag:$0x8] =	stream.indirect_vreg.gather [hbm4b:s5+s3], $0x80, v3, vm0, $0xb8;
	[tilespmem:$0x19900] =	vst v63  }
0xe6: {  	s24 =	rddreg [dreg:$0x1f]  }
0xe7: {  	[tilespmem:s24], [sflag:$0x8] =	stream.indirect_vreg.gather [hbm4b:s6+s3], $0x80, v3, vm0, $0xb8;
	[tilespmem:$0x19900] =	vst v63  }
0xe8: {  	_ =	swait.ge [sflag:s18], $0x3000  }
0xe9: {  	s25 =	rddreg [dreg:$0x7];
	[sflag:s18] =	ssyncset.done $0x0  }
0xea: {  	p0 =	seq.s32 s8, $0x93000;
	[sflag:s18] =	ssyncadd.s32 $0xFFFFD000;
	s24 =	sadd.s32 s8, s25  }
0xeb: {  	[hbm4b:s24+s3] =	stream.linear.scatter [tilespmem:s28], [sflag:$0xC], $0x3000, $0x38;
	[tilespmem:$0x19900] =	vst v63  }
0xec: {  	s24 =	simm.s32 @!p0 $0x9  }
0xed: {  	_ =	swait.ge @!p0 [sflag:s24], $0x3000  }
0xee: {  	[sflag:s24] =	ssyncset.done @!p0 $0x0  }
0xef: {  	[sflag:s24] =	ssyncadd.s32 @!p0 $0xFFFFD000  }
0xf0: {  	v3 =	vld @!p0 [tilespmem:s7+$0x20];
	_ =	sdelay $0x4  }
0xf1: {  	v4 =	vshrl.u32 @!p0 v3, $0x3  }
0xf2: {  	v4 =	vmul.u32 @!p0 $0x30, v4  }
0xf3: {  	v5 =	vlaneseq.u32 @!p0;
	v3 =	vand.u32 @!p0 $0x7, v3  }
0xf4: {  	v6 =	vshrl.u32 @!p0 v5, $0x3;
	v3 =	vor.u32 @!p0 v3, v4;
	v4 =	vand.u32 @!p0 $0x7, v5  }
0xf5: {  	v6 =	vmul.u32 @!p0 $0x8, v6;
	v7 =	vperm.xlane @!p0 v3, v4;
	_ =	sdelay $0x1  }
0xf6: {  	v7 =	vadd.s32 @!p0 v6, v7;
	_ =	sdelay $0x2  }
0xf7: {  	v5 =	vor.u32 @!p0 $0x8, v5  }
0xf8: {  	vm1 =	vmmov @!p0 $0xffff;
	s25 =	simm.s32 @!p0 $0x1900;
	s24 =	simm.s32 @!p0 $0x0;
	v3 =	vperm.xlane @!p0 v3, v5  }
0xf9: {  	[tilespmem:s25], [sflag:$0x1] =	stream.indirect_vreg.gather @!p0 [hbm4b:s1+s24], $0x80, v7, vm1, $0xb8;
	[tilespmem:$0x19900] =	vst v63  }
0xfa: {  	v3 =	vadd.s32 @!p0 v6, v3;
	s25 =	simm.s32 @!p0 $0x2100  }
0xfb: {  	[tilespmem:s25], [sflag:$0x1] =	stream.indirect_vreg.gather @!p0 [hbm4b:s5+s24], $0x80, v7, vm1, $0xb8;
	[tilespmem:$0x19900] =	vst v63  }
0xfc: {  	s25 =	simm.s32 @!p0 $0x2900  }
0xfd: {  	[tilespmem:s25], [sflag:$0x1] =	stream.indirect_vreg.gather @!p0 [hbm4b:s6+s24], $0x80, v7, vm1, $0xb8;
	[tilespmem:$0x19900] =	vst v63  }
0xfe: {  	s25 =	simm.s32 @!p0 $0x3100  }
0xff: {  	[tilespmem:s25], [sflag:$0x1] =	stream.indirect_vreg.gather @!p0 [hbm4b:s1+s24], $0x80, v3, vm1, $0xb8;
	[tilespmem:$0x19900] =	vst v63  }
0x100: {  	s25 =	simm.s32 @!p0 $0x3900  }
0x101: {  	[tilespmem:s25], [sflag:$0x1] =	stream.indirect_vreg.gather @!p0 [hbm4b:s5+s24], $0x80, v3, vm1, $0xb8;
	[tilespmem:$0x19900] =	vst v63  }
0x102: {  	s25 =	simm.s32 @!p0 $0x4100  }
0x103: {  	[tilespmem:s25], [sflag:$0x1] =	stream.indirect_vreg.gather @!p0 [hbm4b:s6+s24], $0x80, v3, vm1, $0xb8;
	[tilespmem:$0x19900] =	vst v63  }
0x104: {  	_ =	swait.ge [sflag:s19], $0x3000  }
0x105: {  	s25 =	rddreg [dreg:$0x4];
	[sflag:s19] =	ssyncset.done $0x0  }
0x106: {  	[sflag:s19] =	ssyncadd.s32 $0xFFFFD000;
	s25 =	sadd.s32 s8, s25  }
0x107: {  	[hbm4b:s25+s3] =	stream.linear.scatter [tilespmem:s10], [sflag:$0xD], $0x3000, $0x38;
	[tilespmem:$0x19900] =	vst v63  }
0x108: {  	s25 =	simm.s32 @!p0 $0xA  }
0x109: {  	_ =	swait.ge @!p0 [sflag:s25], $0x3000  }
0x10a: {  	[sflag:s25] =	ssyncset.done @!p0 $0x0  }
0x10b: {  	[sflag:s25] =	ssyncadd.s32 @!p0 $0xFFFFD000  }
0x10c: {  	v3 =	vld @!p0 [tilespmem:s7+$0x30];
	_ =	sdelay $0x4  }
0x10d: {  	v7 =	vshrl.u32 @!p0 v3, $0x3  }
0x10e: {  	v7 =	vmul.u32 @!p0 $0x30, v7  }
0x10f: {  	v3 =	vand.u32 @!p0 $0x7, v3  }
0x110: {  	v3 =	vor.u32 @!p0 v3, v7  }
0x111: {  	v7 =	vperm.xlane @!p0 v3, v4;
	_ =	sdelay $0x1  }
0x112: {  	v7 =	vadd.s32 @!p0 v6, v7;
	_ =	sdelay $0x3  }
0x113: {  	s25 =	simm.s32 @!p0 $0x4900;
	v3 =	vperm.xlane @!p0 v3, v5  }
0x114: {  	[tilespmem:s25], [sflag:$0x2] =	stream.indirect_vreg.gather @!p0 [hbm4b:s1+s24], $0x80, v7, vm1, $0xb8;
	[tilespmem:$0x19900] =	vst v63  }
0x115: {  	v3 =	vadd.s32 @!p0 v6, v3;
	s25 =	simm.s32 @!p0 $0x5100  }
0x116: {  	[tilespmem:s25], [sflag:$0x2] =	stream.indirect_vreg.gather @!p0 [hbm4b:s5+s24], $0x80, v7, vm1, $0xb8;
	[tilespmem:$0x19900] =	vst v63  }
0x117: {  	s25 =	simm.s32 @!p0 $0x5900  }
0x118: {  	[tilespmem:s25], [sflag:$0x2] =	stream.indirect_vreg.gather @!p0 [hbm4b:s6+s24], $0x80, v7, vm1, $0xb8;
	[tilespmem:$0x19900] =	vst v63  }
0x119: {  	s25 =	simm.s32 @!p0 $0x6100  }
0x11a: {  	[tilespmem:s25], [sflag:$0x2] =	stream.indirect_vreg.gather @!p0 [hbm4b:s1+s24], $0x80, v3, vm1, $0xb8;
	[tilespmem:$0x19900] =	vst v63  }
0x11b: {  	s25 =	simm.s32 @!p0 $0x6900  }
0x11c: {  	[tilespmem:s25], [sflag:$0x2] =	stream.indirect_vreg.gather @!p0 [hbm4b:s5+s24], $0x80, v3, vm1, $0xb8;
	[tilespmem:$0x19900] =	vst v63  }
0x11d: {  	s25 =	simm.s32 @!p0 $0x7100  }
0x11e: {  	[tilespmem:s25], [sflag:$0x2] =	stream.indirect_vreg.gather @!p0 [hbm4b:s6+s24], $0x80, v3, vm1, $0xb8;
	[tilespmem:$0x19900] =	vst v63  }
0x11f: {  	_ =	swait.ge [sflag:s20], $0x3000  }
0x120: {  	s25 =	rddreg [dreg:$0x6];
	[sflag:s20] =	ssyncset.done $0x0  }
0x121: {  	[sflag:s20] =	ssyncadd.s32 $0xFFFFD000;
	s25 =	sadd.s32 s8, s25  }
0x122: {  	[hbm4b:s25+s3] =	stream.linear.scatter [tilespmem:s12], [sflag:$0xE], $0x3000, $0x38;
	[tilespmem:$0x19900] =	vst v63  }
0x123: {  	s25 =	simm.s32 @!p0 $0xB  }
0x124: {  	_ =	swait.ge @!p0 [sflag:s25], $0x3000  }
0x125: {  	[sflag:s25] =	ssyncset.done @!p0 $0x0  }
0x126: {  	[sflag:s25] =	ssyncadd.s32 @!p0 $0xFFFFD000  }
0x127: {  	v3 =	vld @!p0 [tilespmem:s7+$0x40];
	_ =	sdelay $0x4  }
0x128: {  	v7 =	vshrl.u32 @!p0 v3, $0x3  }
0x129: {  	v7 =	vmul.u32 @!p0 $0x30, v7  }
0x12a: {  	v3 =	vand.u32 @!p0 $0x7, v3  }
0x12b: {  	v3 =	vor.u32 @!p0 v3, v7  }
0x12c: {  	v7 =	vperm.xlane @!p0 v3, v4;
	_ =	sdelay $0x1  }
0x12d: {  	v7 =	vadd.s32 @!p0 v6, v7;
	_ =	sdelay $0x3  }
0x12e: {  	s25 =	simm.s32 @!p0 $0x7900;
	v3 =	vperm.xlane @!p0 v3, v5  }
0x12f: {  	[tilespmem:s25], [sflag:$0x3] =	stream.indirect_vreg.gather @!p0 [hbm4b:s1+s24], $0x80, v7, vm1, $0xb8;
	[tilespmem:$0x19900] =	vst v63  }
0x130: {  	v3 =	vadd.s32 @!p0 v6, v3;
	s25 =	simm.s32 @!p0 $0x8100  }
0x131: {  	[tilespmem:s25], [sflag:$0x3] =	stream.indirect_vreg.gather @!p0 [hbm4b:s5+s24], $0x80, v7, vm1, $0xb8;
	[tilespmem:$0x19900] =	vst v63  }
0x132: {  	s25 =	simm.s32 @!p0 $0x8900  }
0x133: {  	[tilespmem:s25], [sflag:$0x3] =	stream.indirect_vreg.gather @!p0 [hbm4b:s6+s24], $0x80, v7, vm1, $0xb8;
	[tilespmem:$0x19900] =	vst v63  }
0x134: {  	s25 =	simm.s32 @!p0 $0x9100  }
0x135: {  	[tilespmem:s25], [sflag:$0x3] =	stream.indirect_vreg.gather @!p0 [hbm4b:s1+s24], $0x80, v3, vm1, $0xb8;
	[tilespmem:$0x19900] =	vst v63  }
0x136: {  	s25 =	simm.s32 @!p0 $0x9900  }
0x137: {  	[tilespmem:s25], [sflag:$0x3] =	stream.indirect_vreg.gather @!p0 [hbm4b:s5+s24], $0x80, v3, vm1, $0xb8;
	[tilespmem:$0x19900] =	vst v63  }
0x138: {  	s25 =	simm.s32 @!p0 $0xA100  }
0x139: {  	[tilespmem:s25], [sflag:$0x3] =	stream.indirect_vreg.gather @!p0 [hbm4b:s6+s24], $0x80, v3, vm1, $0xb8;
	[tilespmem:$0x19900] =	vst v63  }
0x13a: {  	_ =	swait.ge [sflag:s22], $0x3000  }
0x13b: {  	s25 =	rddreg [dreg:$0xa];
	[sflag:s22] =	ssyncset.done $0x0  }
0x13c: {  	[sflag:s22] =	ssyncadd.s32 $0xFFFFD000;
	s25 =	sadd.s32 s8, s25  }
0x13d: {  	[hbm4b:s25+s3] =	stream.linear.scatter [tilespmem:s14], [sflag:$0xF], $0x3000, $0x38;
	[tilespmem:$0x19900] =	vst v63  }
0x13e: {  	s25 =	simm.s32 @!p0 $0xC  }
0x13f: {  	_ =	swait.ge @!p0 [sflag:s25], $0x3000  }
0x140: {  	[sflag:s25] =	ssyncset.done @!p0 $0x0  }
0x141: {  	[sflag:s25] =	ssyncadd.s32 @!p0 $0xFFFFD000  }
0x142: {  	v3 =	vld @!p0 [tilespmem:s7+$0x50];
	_ =	sdelay $0x4  }
0x143: {  	v7 =	vshrl.u32 @!p0 v3, $0x3  }
0x144: {  	v7 =	vmul.u32 @!p0 $0x30, v7  }
0x145: {  	v3 =	vand.u32 @!p0 $0x7, v3  }
0x146: {  	v3 =	vor.u32 @!p0 v3, v7  }
0x147: {  	v4 =	vperm.xlane @!p0 v3, v4;
	_ =	sdelay $0x1  }
0x148: {  	v4 =	vadd.s32 @!p0 v6, v4;
	_ =	sdelay $0x3  }
0x149: {  	s25 =	simm.s32 @!p0 $0xA900;
	v3 =	vperm.xlane @!p0 v3, v5  }
0x14a: {  	[tilespmem:s25], [sflag:$0x4] =	stream.indirect_vreg.gather @!p0 [hbm4b:s1+s24], $0x80, v4, vm1, $0xb8;
	[tilespmem:$0x19900] =	vst v63  }
0x14b: {  	v3 =	vadd.s32 @!p0 v6, v3;
	s25 =	simm.s32 @!p0 $0xB100  }
0x14c: {  	[tilespmem:s25], [sflag:$0x4] =	stream.indirect_vreg.gather @!p0 [hbm4b:s5+s24], $0x80, v4, vm1, $0xb8;
	[tilespmem:$0x19900] =	vst v63  }
0x14d: {  	s25 =	simm.s32 @!p0 $0xB900  }
0x14e: {  	[tilespmem:s25], [sflag:$0x4] =	stream.indirect_vreg.gather @!p0 [hbm4b:s6+s24], $0x80, v4, vm1, $0xb8;
	[tilespmem:$0x19900] =	vst v63  }
0x14f: {  	s25 =	simm.s32 @!p0 $0xC100  }
0x150: {  	[tilespmem:s25], [sflag:$0x4] =	stream.indirect_vreg.gather @!p0 [hbm4b:s1+s24], $0x80, v3, vm1, $0xb8;
	[tilespmem:$0x19900] =	vst v63  }
0x151: {  	s25 =	simm.s32 @!p0 $0xC900  }
0x152: {  	[tilespmem:s25], [sflag:$0x4] =	stream.indirect_vreg.gather @!p0 [hbm4b:s5+s24], $0x80, v3, vm1, $0xb8;
	[tilespmem:$0x19900] =	vst v63  }
0x153: {  	s25 =	simm.s32 @!p0 $0xD100  }
0x154: {  	[tilespmem:s25], [sflag:$0x4] =	stream.indirect_vreg.gather @!p0 [hbm4b:s6+s24], $0x80, v3, vm1, $0xb8;
	[tilespmem:$0x19900] =	vst v63  }
0x155: {  	_ =	swait.ge [sflag:s23], $0x3000  }
0x156: {  	s25 =	rddreg [dreg:$0xb]  }
0x157: {  	s24 =	sadd.s32 s8, s25;
	s8 =	sadd.s32 $0x3000, s8  }
0x158: {  	p0 =	sne.s32 s8, $0x96000  }
.Ltmp0:
0x159: {  	_ = 	snop;
	(pc) =	sbr.rel @p0 .LBB2_2-.Ltmp0, $4  }
0x15a: {  	_ = 	snop  }
0x15b: {  	[sflag:s23] =	ssyncset.done $0x0  }
0x15c: {  	s7 =	sadd.s32 $0x80, s7;
	[sflag:s23] =	ssyncadd.s32 $0xFFFFD000  }
0x15d: {  	[hbm4b:s24+s3] =	stream.linear.scatter [tilespmem:s17], [sflag:$0x10], $0x3000, $0x38;
	[tilespmem:$0x19900] =	vst v63  }
0x15e: {  	s7 =	simm.s32 $0x9  }
0x15f: {  	_ =	swait.ge [sflag:s7], $0x3000  }
0x160: {  	[sflag:s7] =	ssyncset.done $0x0  }
0x161: {  	s24 =	simm.s32 $0xA;
	[sflag:s7] =	ssyncadd.s32 $0xFFFFD000  }
0x162: {  	_ =	swait.ge [sflag:s24], $0x3000  }
0x163: {  	[sflag:s24] =	ssyncset.done $0x0  }
0x164: {  	[sflag:s24] =	ssyncadd.s32 $0xFFFFD000  }
0x165: {  	_ =	swait.ge [sflag:s26], $0x3000  }
0x166: {  	[sflag:s26] =	ssyncset.done $0x0  }
0x167: {  	[sflag:s26] =	ssyncadd.s32 $0xFFFFD000  }
0x168: {  	_ =	swait.ge [sflag:s29], $0x3000  }
0x169: {  	[sflag:s29] =	ssyncset.done $0x0  }
0x16a: {  	[sflag:s29] =	ssyncadd.s32 $0xFFFFD000  }
0x16b: {  	_ =	swait.ge [sflag:s30], $0x3000  }
0x16c: {  	[sflag:s30] =	ssyncset.done $0x0  }
0x16d: {  	[sflag:s30] =	ssyncadd.s32 $0xFFFFD000  }
0x16e: {  	_ =	swait.ge [sflag:s31], $0x3000  }
0x16f: {  	[sflag:s31] =	ssyncset.done $0x0  }
0x170: {  	[sflag:s31] =	ssyncadd.s32 $0xFFFFD000  }
0x171: {  	_ =	swait.ge [sflag:s2], $0x3000  }
0x172: {  	[sflag:s2] =	ssyncset.done $0x0  }
0x173: {  	[sflag:s2] =	ssyncadd.s32 $0xFFFFD000  }
0x174: {  	_ =	swait.ge [sflag:s0], $0x3000  }
0x175: {  	s25 =	sld [smem:$0x7FD];
	_ =	sdelay $0x1  }
0x176: {  	s4 =	sadd.s32 $0x1, s4  }
0x177: {  	p0 =	sne.s32 s4, s25  }
.Ltmp1:
0x178: {  	_ = 	snop;
	(pc) =	sbr.rel @p0 .LBB2_1-.Ltmp1, $3  }
0x179: {  	_ =	sdelay $0x1  }
0x17a: {  	[sflag:s0] =	ssyncset.done $0x0  }
0x17b: {  	[sflag:s0] =	ssyncadd.s32 $0xFFFFD000  }
0x17c: {  	_ =	sfence.sel $0x180000  }
0x17d: {  	[bflag:$0x0] =	sbarrier.arrive $0xFFFF  }
0x17e: {  	_ =	strace $0x90000047  }
0x17f: {  	s0 =	stileid.u32;
	[bflag:$0x2] =	sbarrier.arrive $0xFFFF  }
0x180: {  	p0 =	sne.s32 s0, $0x0;
	s0 =	rddreg [dreg:$0x3]  }
0x181: {  	s0 =	sadd.s32 @!p0 $0x100000, s0  }
0x182: {  	[sflag:s0] =	ssyncadd.tile.s32 @!p0 $0x1;
	_ =	shalt  }
.Lfunc_end2:
_tile_overlayer_lowered:
.L_overlay_start_2:
0x183: {  	(tag) =	ssettag $0x2  }
0x184: {  	s0 =	rddreg [dreg:$0x0];
	s2 =	stileid.u32  }
0x185: {  	s1 =	rddreg [dreg:$0x1];
	p0 =	sne.s32 s2, $0x0  }
0x186: {  	s3 =	rddreg [dreg:$0x2];
	[bflag:$0x3] =	sbarrier.arrive $0xFFFF;
	s2 =	simm.s32 @!p0 $0x1C11  }
0x187: {  	[timem:s3], [sflag:s2] =	dma.local @!p0 [hbm:s0], s1  }
0x188: {  	s0 =	simm.s32 @!p0 $0x11  }
0x189: {  	_ =	swait.ge @!p0 [sflag:s0], s1  }
0x18a: {  	s1 =	ssub.s32 @!p0 $0x0, s1;
	[sflag:s0] =	ssyncset.done @!p0 $0x0  }
0x18b: {  	[sflag:s0] =	ssyncadd.s32 @!p0 s1  }
0x18c: {  	[bflag:$0x3] =	sbarrier.arrive $0xFFFF  }
0x18d: {  	_ =	shalt  }

</sc_bundles>
